<compile_context>
chip_gen: v7x
topology: tpu7x:2x2x1
jax: 0.10.2.dev20260603
libtpu: 0.0.44.dev20260713+nightly
codegen_flags: <defaults>
</compile_context>

<pallas_src>
import functools

import numpy as np
import jax
import jax.numpy as jnp
from jax import lax
from jax.experimental import pallas as pl
from jax.experimental.pallas import tpu as pltpu
from jax.experimental.pallas import tpu_sc as plsc

_MAXLEN = 200
_VOCAB = 100000
_DIM = 128
_BATCH = 4096
_CH = 128
_NW = 32
_NB = 5
_TOTAL_ROWS = _BATCH * _MAXLEN
_TOTAL_CHUNKS = _TOTAL_ROWS // _CH
_CPW = _TOTAL_CHUNKS // _NW


def _pos_table() -> np.ndarray:
    position = np.arange(_MAXLEN)[:, np.newaxis]
    i = np.arange(_DIM)[np.newaxis, :]
    angles = 1 / np.power(10000, 2 * (i // 2) / np.float32(_DIM))
    angle_rads = position * angles
    angle_rads[:, 0::2] = np.sin(angle_rads[:, 0::2])
    angle_rads[:, 1::2] = np.cos(angle_rads[:, 1::2])
    return np.asarray(angle_rads, dtype=np.float32)


_POS2 = np.concatenate([_pos_table(), _pos_table()], axis=0)


def _body(idx_hbm, table_hbm, pos_hbm, out_hbm, idx_v, pos_sh, rows_v, sp, sg, ss):
    nc = 2
    wid = lax.axis_index("s") * nc + lax.axis_index("c")
    cbase = wid * _CPW

    pltpu.sync_copy(idx_hbm.at[pl.ds(cbase, _CPW)], idx_v)

    @pl.when(lax.axis_index("s") == 0)
    def _():
        pltpu.sync_copy(pos_hbm, pos_sh)

    plsc.subcore_barrier()

    def prefill_start(g, b):
        l0 = (g * _CH) % _MAXLEN
        pltpu.async_copy(pos_sh.at[pl.ds(l0, _CH)], rows_v.at[b], sp[b])

    def prefill_wait(b):
        pltpu.make_async_copy(pos_sh.at[pl.ds(0, _CH)], rows_v.at[b], sp[b]).wait()

    def gather_start(g, b):
        pltpu.async_copy(table_hbm.at[idx_v.at[g]], rows_v.at[b], sg[b],
                         add=True)

    def gather_wait(g, b):
        pltpu.make_async_copy(table_hbm.at[idx_v.at[g]], rows_v.at[b],
                              sg[b]).wait()

    def store_start(g, b):
        pltpu.async_copy(rows_v.at[b], out_hbm.at[pl.ds((cbase + g) * _CH, _CH)],
                         ss[b])

    def store_wait(b):
        pltpu.make_async_copy(rows_v.at[b], out_hbm.at[pl.ds(0, _CH)], ss[b]).wait()

    def chunk_step(g, b, with_store_wait=True):
        bp1 = (b + 1) % _NB
        bp2 = (b + 2) % _NB
        prefill_wait(bp1)
        gather_start(g + 1, bp1)
        gather_wait(g, b)
        store_start(g, b)
        if with_store_wait:
            store_wait(bp2)
        prefill_start(g + 2, bp2)

    prefill_start(0, 0)
    prefill_start(1, 1)
    prefill_wait(0)
    gather_start(0, 0)
    for g in (0, 1, 2):
        chunk_step(g, g, with_store_wait=False)

    def group(i, carry):
        g0 = 3 + 5 * i
        for j in range(5):
            chunk_step(g0 + j, (3 + j) % _NB)
        return carry

    lax.fori_loop(0, (_CPW - 5) // 5, group, 0)

    prefill_wait(4)
    gather_start(_CPW - 1, 4)
    gather_wait(_CPW - 2, 3)
    store_start(_CPW - 2, 3)
    store_wait(0)
    gather_wait(_CPW - 1, 4)
    store_start(_CPW - 1, 4)
    for b in (1, 2, 3, 4):
        store_wait(b)


@functools.partial(
    pl.kernel,
    out_type=jax.ShapeDtypeStruct((_TOTAL_ROWS, _DIM), jnp.float32),
    mesh=plsc.VectorSubcoreMesh(core_axis_name="c", subcore_axis_name="s"),
    scratch_types=[
        pltpu.VMEM((_CPW, _CH), jnp.int32),
        pltpu.VMEM_SHARED((2 * _MAXLEN, _DIM), jnp.float32),
        pltpu.VMEM((_NB, _CH, _DIM), jnp.float32),
        [pltpu.SemaphoreType.DMA] * _NB,
        [pltpu.SemaphoreType.DMA] * _NB,
        [pltpu.SemaphoreType.DMA] * _NB,
    ],
)
def _sc_embed(idx_hbm, table_hbm, pos_hbm, out_hbm, idx_v, pos_sh, rows_v,
              sp, sg, ss):
    _body(idx_hbm, table_hbm, pos_hbm, out_hbm, idx_v, pos_sh, rows_v, sp, sg, ss)


def kernel(x, table):
    idx2d = x.astype(jnp.int32).reshape(_TOTAL_CHUNKS, _CH)
    pos2 = jnp.asarray(_POS2)
    out = _sc_embed(idx2d, table, pos2)
    return out.reshape(_BATCH, _MAXLEN, _DIM)

# --- scband reference (transcript-rebuilt; emitter-appended) ---
"""Pipeline reference for scband-sinusoidal-token-and-position-embedding-84327387890443 (READ-ONLY COPY).

The authoritative reference and input builder live on the scoring server;
editing this copy changes nothing except your own understanding.
"""

import jax, jax.numpy as jnp
import numpy as np

MAXLEN = 200
VOCAB = 100000
DIM = 128
BATCH = 4096


def _sinusoidal_pos_emb(maxlen, d_model):
    position = np.arange(maxlen)[:, np.newaxis]
    i = np.arange(d_model)[np.newaxis, :]
    angles = 1 / np.power(10000, 2 * (i // 2) / np.float32(d_model))
    angle_rads = position * angles
    angle_rads[:, 0::2] = np.sin(angle_rads[:, 0::2])
    angle_rads[:, 1::2] = np.cos(angle_rads[:, 1::2])
    pos_encoding = angle_rads[np.newaxis, ...]
    return jnp.asarray(pos_encoding, dtype=jnp.float32)


def setup_inputs(seed: int = 0) -> dict:
    key = jax.random.key(seed)
    k1, k2 = jax.random.split(key)
    x = jax.random.randint(k1, (BATCH, MAXLEN), 0, VOCAB, dtype=jnp.int64 if jax.config.jax_enable_x64 else jnp.int32)
    table = jax.random.normal(k2, (VOCAB, DIM), dtype=jnp.float32) * 0.05
    return {"x": x, "table": table}


def reference(x, table):
    # token embedding lookup
    tok = jnp.take(table, x, axis=0)  # [B, L, D]
    # sinusoidal positional encoding, sliced to seq len
    pos = _sinusoidal_pos_emb(MAXLEN, DIM)[:, : tok.shape[1], :]
    return tok + pos

if __name__ == "__main__":
    import jax
    _d = setup_inputs()
    print(jax.jit(kernel)(*tuple(_d.values())))

</pallas_src>

<mosaic_0001>
#map = affine_map<(d0, d1) -> (0, 0)>
module attributes {stable_mosaic.version = 14 : i64} {
  func.func @_sc_embed(%arg0: i32, %arg1: i32, %arg2: memref<6400x128xi32, #tpu.memory_space<hbm>>, %arg3: memref<100000x128xf32, #tpu.memory_space<hbm>>, %arg4: memref<400x128xf32, #tpu.memory_space<hbm>>, %arg5: memref<819200x128xf32, #tpu.memory_space<hbm>>, %arg6: memref<200x128xi32, #tpu.memory_space<vmem>>, %arg7: memref<400x128xf32, #tpu.memory_space<vmem_shared>>, %arg8: memref<5x128x128xf32, #tpu.memory_space<vmem>>, %arg9: memref<!tpu.dma_semaphore, #tpu.memory_space<semaphore_mem>>, %arg10: memref<!tpu.dma_semaphore, #tpu.memory_space<semaphore_mem>>, %arg11: memref<!tpu.dma_semaphore, #tpu.memory_space<semaphore_mem>>, %arg12: memref<!tpu.dma_semaphore, #tpu.memory_space<semaphore_mem>>, %arg13: memref<!tpu.dma_semaphore, #tpu.memory_space<semaphore_mem>>, %arg14: memref<!tpu.dma_semaphore, #tpu.memory_space<semaphore_mem>>, %arg15: memref<!tpu.dma_semaphore, #tpu.memory_space<semaphore_mem>>, %arg16: memref<!tpu.dma_semaphore, #tpu.memory_space<semaphore_mem>>, %arg17: memref<!tpu.dma_semaphore, #tpu.memory_space<semaphore_mem>>, %arg18: memref<!tpu.dma_semaphore, #tpu.memory_space<semaphore_mem>>, %arg19: memref<!tpu.dma_semaphore, #tpu.memory_space<semaphore_mem>>, %arg20: memref<!tpu.dma_semaphore, #tpu.memory_space<semaphore_mem>>, %arg21: memref<!tpu.dma_semaphore, #tpu.memory_space<semaphore_mem>>, %arg22: memref<!tpu.dma_semaphore, #tpu.memory_space<semaphore_mem>>, %arg23: memref<!tpu.dma_semaphore, #tpu.memory_space<semaphore_mem>>) attributes {dimension_semantics = [#tpu.dimension_semantics<core_parallel>, #tpu.dimension_semantics<subcore_parallel>], iteration_bounds = array<i64: 2, 16>, scalar_prefetch = 0 : i64, scratch_operands = 18 : i64, tpu.core_type = #tpu.core_type<sc_vector_subcore>, window_params = [{transform_indices = #map}, {transform_indices = #map}, {transform_indices = #map}, {transform_indices = #map}]} {
    %mul3A = arith.constant 2 : i32
    %mul3A_0 = arith.muli %arg1, %mul3A : i32
    %add3A = arith.addi %mul3A_0, %arg0 : i32
    %mul3A_1 = arith.constant 200 : i32
    %mul3A_2 = arith.muli %add3A, %mul3A_1 : i32
    "tpu.region"() ({
      %run_scoped3A = tpu.sem_alloc : memref<!tpu.dma_semaphore, #tpu.memory_space<semaphore_mem>>
      %dma_start3A_438 = arith.constant 0 : i32
      %dma_start3A_439 = tpu.memref_slice %arg2[%mul3A_2, %dma_start3A_438] : memref<6400x128xi32, #tpu.memory_space<hbm>> -> memref<200x128xi32, #tpu.memory_space<hbm>>
      %dma_start3A_440 = arith.constant 0 : i32
      %dma_start3A_441 = tpu.memref_slice %arg2[%mul3A_2, %dma_start3A_440] : memref<6400x128xi32, #tpu.memory_space<hbm>> -> memref<200x128xi32, #tpu.memory_space<hbm>>
      tpu.enqueue_dma source(%dma_start3A_441 : memref<200x128xi32, #tpu.memory_space<hbm>>) target(%arg6 : memref<200x128xi32, #tpu.memory_space<vmem>>) target_semaphore(%run_scoped3A : memref<!tpu.dma_semaphore, #tpu.memory_space<semaphore_mem>>)
      %dma_wait3A_442 = arith.constant 0 : i32
      %dma_wait3A_443 = tpu.memref_slice %arg2[%mul3A_2, %dma_wait3A_442] : memref<6400x128xi32, #tpu.memory_space<hbm>> -> memref<200x128xi32, #tpu.memory_space<hbm>>
      %dma_wait3A_444 = arith.constant 0 : i32
      %dma_wait3A_445 = tpu.memref_slice %arg2[%mul3A_2, %dma_wait3A_444] : memref<6400x128xi32, #tpu.memory_space<hbm>> -> memref<200x128xi32, #tpu.memory_space<hbm>>
      tpu.wait_dma2 semaphore(%run_scoped3A : memref<!tpu.dma_semaphore, #tpu.memory_space<semaphore_mem>>) src(%dma_wait3A_445 : memref<200x128xi32, #tpu.memory_space<hbm>>) dst(%arg6 : memref<200x128xi32, #tpu.memory_space<vmem>>)
      tpu.yield
    }) : () -> ()
    %eq3A = arith.constant 0 : i32
    %eq3A_3 = arith.cmpi eq, %arg1, %eq3A : i32
    %convert_element_type3A = arith.extui %eq3A_3 : i1 to i32
    %cond3A = arith.constant 0 : i32
    %cond3A_4 = arith.cmpi ne, %convert_element_type3A, %cond3A : i32
    scf.if %cond3A_4 {
      "tpu.region"() ({
        %run_scoped3A = tpu.sem_alloc : memref<!tpu.dma_semaphore, #tpu.memory_space<semaphore_mem>>
        tpu.enqueue_dma source(%arg4 : memref<400x128xf32, #tpu.memory_space<hbm>>) target(%arg7 : memref<400x128xf32, #tpu.memory_space<vmem_shared>>) target_semaphore(%run_scoped3A : memref<!tpu.dma_semaphore, #tpu.memory_space<semaphore_mem>>)
        tpu.wait_dma2 semaphore(%run_scoped3A : memref<!tpu.dma_semaphore, #tpu.memory_space<semaphore_mem>>) src(%arg4 : memref<400x128xf32, #tpu.memory_space<hbm>>) dst(%arg7 : memref<400x128xf32, #tpu.memory_space<vmem_shared>>)
        tpu.yield
      }) : () -> ()
    } else {
    }
    %barrier3A = arith.constant 0 : index
    tpu.barrier barrier_id(%barrier3A)
    %dma_start3A = arith.constant 0 : i32
    %dma_start3A_5 = arith.constant 0 : i32
    %dma_start3A_6 = arith.constant 0 : i32
    %dma_start3A_7 = tpu.memref_slice %arg8[%dma_start3A, %dma_start3A_5, %dma_start3A_6] : memref<5x128x128xf32, #tpu.memory_space<vmem>> -> memref<1x128x128xf32, #tpu.memory_space<vmem>>
    %dma_start3A_8 = tpu.memref_squeeze %dma_start3A_7 : memref<1x128x128xf32, #tpu.memory_space<vmem>> -> memref<128x128xf32, #tpu.memory_space<vmem>>
    %dma_start3A_9 = arith.constant 0 : i32
    %dma_start3A_10 = arith.constant 0 : i32
    %dma_start3A_11 = tpu.memref_slice %arg7[%dma_start3A_9, %dma_start3A_10] : memref<400x128xf32, #tpu.memory_space<vmem_shared>> -> memref<128x128xf32, #tpu.memory_space<vmem_shared>>
    %dma_start3A_12 = arith.constant 0 : i32
    %dma_start3A_13 = arith.constant 0 : i32
    %dma_start3A_14 = tpu.memref_slice %arg8[%dma_start3A, %dma_start3A_12, %dma_start3A_13] : memref<5x128x128xf32, #tpu.memory_space<vmem>> -> memref<1x128x128xf32, #tpu.memory_space<vmem>>
    %dma_start3A_15 = tpu.memref_squeeze %dma_start3A_14 : memref<1x128x128xf32, #tpu.memory_space<vmem>> -> memref<128x128xf32, #tpu.memory_space<vmem>>
    %dma_start3A_16 = arith.constant 0 : i32
    %dma_start3A_17 = arith.constant 0 : i32
    %dma_start3A_18 = tpu.memref_slice %arg7[%dma_start3A_16, %dma_start3A_17] : memref<400x128xf32, #tpu.memory_space<vmem_shared>> -> memref<128x128xf32, #tpu.memory_space<vmem_shared>>
    tpu.enqueue_dma source(%dma_start3A_18 : memref<128x128xf32, #tpu.memory_space<vmem_shared>>) target(%dma_start3A_15 : memref<128x128xf32, #tpu.memory_space<vmem>>) target_semaphore(%arg9 : memref<!tpu.dma_semaphore, #tpu.memory_space<semaphore_mem>>)
    %dma_start3A_19 = arith.constant 1 : i32
    %dma_start3A_20 = arith.constant 0 : i32
    %dma_start3A_21 = arith.constant 0 : i32
    %dma_start3A_22 = tpu.memref_slice %arg8[%dma_start3A_19, %dma_start3A_20, %dma_start3A_21] : memref<5x128x128xf32, #tpu.memory_space<vmem>> -> memref<1x128x128xf32, #tpu.memory_space<vmem>>
    %dma_start3A_23 = tpu.memref_squeeze %dma_start3A_22 : memref<1x128x128xf32, #tpu.memory_space<vmem>> -> memref<128x128xf32, #tpu.memory_space<vmem>>
    %dma_start3A_24 = arith.constant 128 : i32
    %dma_start3A_25 = arith.constant 0 : i32
    %dma_start3A_26 = tpu.memref_slice %arg7[%dma_start3A_24, %dma_start3A_25] : memref<400x128xf32, #tpu.memory_space<vmem_shared>> -> memref<128x128xf32, #tpu.memory_space<vmem_shared>>
    %dma_start3A_27 = arith.constant 0 : i32
    %dma_start3A_28 = arith.constant 0 : i32
    %dma_start3A_29 = tpu.memref_slice %arg8[%dma_start3A_19, %dma_start3A_27, %dma_start3A_28] : memref<5x128x128xf32, #tpu.memory_space<vmem>> -> memref<1x128x128xf32, #tpu.memory_space<vmem>>
    %dma_start3A_30 = tpu.memref_squeeze %dma_start3A_29 : memref<1x128x128xf32, #tpu.memory_space<vmem>> -> memref<128x128xf32, #tpu.memory_space<vmem>>
    %dma_start3A_31 = arith.constant 128 : i32
    %dma_start3A_32 = arith.constant 0 : i32
    %dma_start3A_33 = tpu.memref_slice %arg7[%dma_start3A_31, %dma_start3A_32] : memref<400x128xf32, #tpu.memory_space<vmem_shared>> -> memref<128x128xf32, #tpu.memory_space<vmem_shared>>
    tpu.enqueue_dma source(%dma_start3A_33 : memref<128x128xf32, #tpu.memory_space<vmem_shared>>) target(%dma_start3A_30 : memref<128x128xf32, #tpu.memory_space<vmem>>) target_semaphore(%arg10 : memref<!tpu.dma_semaphore, #tpu.memory_space<semaphore_mem>>)
    %dma_wait3A = arith.constant 0 : i32
    %dma_wait3A_34 = arith.constant 0 : i32
    %dma_wait3A_35 = arith.constant 0 : i32
    %dma_wait3A_36 = tpu.memref_slice %arg8[%dma_wait3A, %dma_wait3A_34, %dma_wait3A_35] : memref<5x128x128xf32, #tpu.memory_space<vmem>> -> memref<1x128x128xf32, #tpu.memory_space<vmem>>
    %dma_wait3A_37 = tpu.memref_squeeze %dma_wait3A_36 : memref<1x128x128xf32, #tpu.memory_space<vmem>> -> memref<128x128xf32, #tpu.memory_space<vmem>>
    %dma_wait3A_38 = arith.constant 0 : i32
    %dma_wait3A_39 = arith.constant 0 : i32
    %dma_wait3A_40 = tpu.memref_slice %arg7[%dma_wait3A_38, %dma_wait3A_39] : memref<400x128xf32, #tpu.memory_space<vmem_shared>> -> memref<128x128xf32, #tpu.memory_space<vmem_shared>>
    %dma_wait3A_41 = arith.constant 0 : i32
    %dma_wait3A_42 = arith.constant 0 : i32
    %dma_wait3A_43 = tpu.memref_slice %arg8[%dma_wait3A, %dma_wait3A_41, %dma_wait3A_42] : memref<5x128x128xf32, #tpu.memory_space<vmem>> -> memref<1x128x128xf32, #tpu.memory_space<vmem>>
    %dma_wait3A_44 = tpu.memref_squeeze %dma_wait3A_43 : memref<1x128x128xf32, #tpu.memory_space<vmem>> -> memref<128x128xf32, #tpu.memory_space<vmem>>
    %dma_wait3A_45 = arith.constant 0 : i32
    %dma_wait3A_46 = arith.constant 0 : i32
    %dma_wait3A_47 = tpu.memref_slice %arg7[%dma_wait3A_45, %dma_wait3A_46] : memref<400x128xf32, #tpu.memory_space<vmem_shared>> -> memref<128x128xf32, #tpu.memory_space<vmem_shared>>
    tpu.wait_dma2 semaphore(%arg9 : memref<!tpu.dma_semaphore, #tpu.memory_space<semaphore_mem>>) src(%dma_wait3A_47 : memref<128x128xf32, #tpu.memory_space<vmem_shared>>) dst(%dma_wait3A_44 : memref<128x128xf32, #tpu.memory_space<vmem>>)
    %dma_start3A_48 = arith.constant 0 : i32
    %dma_start3A_49 = arith.constant 0 : i32
    %dma_start3A_50 = arith.constant 0 : i32
    %dma_start3A_51 = arith.constant 0 : i32
    %dma_start3A_52 = tpu.memref_slice %arg8[%dma_start3A_49, %dma_start3A_50, %dma_start3A_51] : memref<5x128x128xf32, #tpu.memory_space<vmem>> -> memref<1x128x128xf32, #tpu.memory_space<vmem>>
    %dma_start3A_53 = tpu.memref_squeeze %dma_start3A_52 : memref<1x128x128xf32, #tpu.memory_space<vmem>> -> memref<128x128xf32, #tpu.memory_space<vmem>>
    %dma_start3A_54 = arith.constant 0 : i32
    %dma_start3A_55 = tpu.memref_slice %arg6[%dma_start3A_48, %dma_start3A_54] : memref<200x128xi32, #tpu.memory_space<vmem>> -> memref<1x128xi32, #tpu.memory_space<vmem>>
    %dma_start3A_56 = tpu.memref_squeeze %dma_start3A_55 : memref<1x128xi32, #tpu.memory_space<vmem>> -> memref<128xi32, #tpu.memory_space<vmem>>
    %dma_start3A_57 = arith.constant 0 : i32
    %dma_start3A_58 = arith.constant 0 : i32
    %dma_start3A_59 = tpu.memref_slice %arg3[%dma_start3A_57, %dma_start3A_58] : memref<100000x128xf32, #tpu.memory_space<hbm>> -> memref<100000x128xf32, #tpu.memory_space<hbm>>
    tpu.enqueue_indirect_dma source(%dma_start3A_59 : memref<100000x128xf32, #tpu.memory_space<hbm>>) target(%dma_start3A_53 : memref<128x128xf32, #tpu.memory_space<vmem>>) offsets(%dma_start3A_56 : memref<128xi32, #tpu.memory_space<vmem>>) semaphore(%arg14 : memref<!tpu.dma_semaphore, #tpu.memory_space<semaphore_mem>>) {add = true}
    %dma_wait3A_60 = arith.constant 1 : i32
    %dma_wait3A_61 = arith.constant 0 : i32
    %dma_wait3A_62 = arith.constant 0 : i32
    %dma_wait3A_63 = tpu.memref_slice %arg8[%dma_wait3A_60, %dma_wait3A_61, %dma_wait3A_62] : memref<5x128x128xf32, #tpu.memory_space<vmem>> -> memref<1x128x128xf32, #tpu.memory_space<vmem>>
    %dma_wait3A_64 = tpu.memref_squeeze %dma_wait3A_63 : memref<1x128x128xf32, #tpu.memory_space<vmem>> -> memref<128x128xf32, #tpu.memory_space<vmem>>
    %dma_wait3A_65 = arith.constant 0 : i32
    %dma_wait3A_66 = arith.constant 0 : i32
    %dma_wait3A_67 = tpu.memref_slice %arg7[%dma_wait3A_65, %dma_wait3A_66] : memref<400x128xf32, #tpu.memory_space<vmem_shared>> -> memref<128x128xf32, #tpu.memory_space<vmem_shared>>
    %dma_wait3A_68 = arith.constant 0 : i32
    %dma_wait3A_69 = arith.constant 0 : i32
    %dma_wait3A_70 = tpu.memref_slice %arg8[%dma_wait3A_60, %dma_wait3A_68, %dma_wait3A_69] : memref<5x128x128xf32, #tpu.memory_space<vmem>> -> memref<1x128x128xf32, #tpu.memory_space<vmem>>
    %dma_wait3A_71 = tpu.memref_squeeze %dma_wait3A_70 : memref<1x128x128xf32, #tpu.memory_space<vmem>> -> memref<128x128xf32, #tpu.memory_space<vmem>>
    %dma_wait3A_72 = arith.constant 0 : i32
    %dma_wait3A_73 = arith.constant 0 : i32
    %dma_wait3A_74 = tpu.memref_slice %arg7[%dma_wait3A_72, %dma_wait3A_73] : memref<400x128xf32, #tpu.memory_space<vmem_shared>> -> memref<128x128xf32, #tpu.memory_space<vmem_shared>>
    tpu.wait_dma2 semaphore(%arg10 : memref<!tpu.dma_semaphore, #tpu.memory_space<semaphore_mem>>) src(%dma_wait3A_74 : memref<128x128xf32, #tpu.memory_space<vmem_shared>>) dst(%dma_wait3A_71 : memref<128x128xf32, #tpu.memory_space<vmem>>)
    %dma_start3A_75 = arith.constant 1 : i32
    %dma_start3A_76 = arith.constant 1 : i32
    %dma_start3A_77 = arith.constant 0 : i32
    %dma_start3A_78 = arith.constant 0 : i32
    %dma_start3A_79 = tpu.memref_slice %arg8[%dma_start3A_76, %dma_start3A_77, %dma_start3A_78] : memref<5x128x128xf32, #tpu.memory_space<vmem>> -> memref<1x128x128xf32, #tpu.memory_space<vmem>>
    %dma_start3A_80 = tpu.memref_squeeze %dma_start3A_79 : memref<1x128x128xf32, #tpu.memory_space<vmem>> -> memref<128x128xf32, #tpu.memory_space<vmem>>
    %dma_start3A_81 = arith.constant 0 : i32
    %dma_start3A_82 = tpu.memref_slice %arg6[%dma_start3A_75, %dma_start3A_81] : memref<200x128xi32, #tpu.memory_space<vmem>> -> memref<1x128xi32, #tpu.memory_space<vmem>>
    %dma_start3A_83 = tpu.memref_squeeze %dma_start3A_82 : memref<1x128xi32, #tpu.memory_space<vmem>> -> memref<128xi32, #tpu.memory_space<vmem>>
    %dma_start3A_84 = arith.constant 0 : i32
    %dma_start3A_85 = arith.constant 0 : i32
    %dma_start3A_86 = tpu.memref_slice %arg3[%dma_start3A_84, %dma_start3A_85] : memref<100000x128xf32, #tpu.memory_space<hbm>> -> memref<100000x128xf32, #tpu.memory_space<hbm>>
    tpu.enqueue_indirect_dma source(%dma_start3A_86 : memref<100000x128xf32, #tpu.memory_space<hbm>>) target(%dma_start3A_80 : memref<128x128xf32, #tpu.memory_space<vmem>>) offsets(%dma_start3A_83 : memref<128xi32, #tpu.memory_space<vmem>>) semaphore(%arg15 : memref<!tpu.dma_semaphore, #tpu.memory_space<semaphore_mem>>) {add = true}
    %dma_wait3A_87 = arith.constant 0 : i32
    %dma_wait3A_88 = arith.constant 0 : i32
    %dma_wait3A_89 = arith.constant 0 : i32
    %dma_wait3A_90 = arith.constant 0 : i32
    %dma_wait3A_91 = tpu.memref_slice %arg8[%dma_wait3A_88, %dma_wait3A_89, %dma_wait3A_90] : memref<5x128x128xf32, #tpu.memory_space<vmem>> -> memref<1x128x128xf32, #tpu.memory_space<vmem>>
    %dma_wait3A_92 = tpu.memref_squeeze %dma_wait3A_91 : memref<1x128x128xf32, #tpu.memory_space<vmem>> -> memref<128x128xf32, #tpu.memory_space<vmem>>
    %dma_wait3A_93 = arith.constant 0 : i32
    %dma_wait3A_94 = tpu.memref_slice %arg6[%dma_wait3A_87, %dma_wait3A_93] : memref<200x128xi32, #tpu.memory_space<vmem>> -> memref<1x128xi32, #tpu.memory_space<vmem>>
    %dma_wait3A_95 = tpu.memref_squeeze %dma_wait3A_94 : memref<1x128xi32, #tpu.memory_space<vmem>> -> memref<128xi32, #tpu.memory_space<vmem>>
    %dma_wait3A_96 = arith.constant 0 : i32
    %dma_wait3A_97 = arith.constant 0 : i32
    %dma_wait3A_98 = tpu.memref_slice %arg3[%dma_wait3A_96, %dma_wait3A_97] : memref<100000x128xf32, #tpu.memory_space<hbm>> -> memref<100000x128xf32, #tpu.memory_space<hbm>>
    tpu.wait_indirect_dma semaphore(%arg14 : memref<!tpu.dma_semaphore, #tpu.memory_space<semaphore_mem>>) src(%dma_wait3A_98 : memref<100000x128xf32, #tpu.memory_space<hbm>>) dst(%dma_wait3A_92 : memref<128x128xf32, #tpu.memory_space<vmem>>)
    %add3A_99 = arith.constant 0 : i32
    %add3A_100 = arith.addi %mul3A_2, %add3A_99 : i32
    %mul3A_101 = arith.constant 128 : i32
    %mul3A_102 = arith.muli %add3A_100, %mul3A_101 : i32
    %dma_start3A_103 = arith.constant 0 : i32
    %dma_start3A_104 = arith.constant 0 : i32
    %dma_start3A_105 = arith.constant 0 : i32
    %dma_start3A_106 = tpu.memref_slice %arg8[%dma_start3A_103, %dma_start3A_104, %dma_start3A_105] : memref<5x128x128xf32, #tpu.memory_space<vmem>> -> memref<1x128x128xf32, #tpu.memory_space<vmem>>
    %dma_start3A_107 = tpu.memref_squeeze %dma_start3A_106 : memref<1x128x128xf32, #tpu.memory_space<vmem>> -> memref<128x128xf32, #tpu.memory_space<vmem>>
    %dma_start3A_108 = arith.constant 0 : i32
    %dma_start3A_109 = tpu.memref_slice %arg5[%mul3A_102, %dma_start3A_108] : memref<819200x128xf32, #tpu.memory_space<hbm>> -> memref<128x128xf32, #tpu.memory_space<hbm>>
    %dma_start3A_110 = arith.constant 0 : i32
    %dma_start3A_111 = tpu.memref_slice %arg5[%mul3A_102, %dma_start3A_110] : memref<819200x128xf32, #tpu.memory_space<hbm>> -> memref<128x128xf32, #tpu.memory_space<hbm>>
    %dma_start3A_112 = arith.constant 0 : i32
    %dma_start3A_113 = arith.constant 0 : i32
    %dma_start3A_114 = tpu.memref_slice %arg8[%dma_start3A_103, %dma_start3A_112, %dma_start3A_113] : memref<5x128x128xf32, #tpu.memory_space<vmem>> -> memref<1x128x128xf32, #tpu.memory_space<vmem>>
    %dma_start3A_115 = tpu.memref_squeeze %dma_start3A_114 : memref<1x128x128xf32, #tpu.memory_space<vmem>> -> memref<128x128xf32, #tpu.memory_space<vmem>>
    tpu.enqueue_dma source(%dma_start3A_115 : memref<128x128xf32, #tpu.memory_space<vmem>>) target(%dma_start3A_111 : memref<128x128xf32, #tpu.memory_space<hbm>>) target_semaphore(%arg19 : memref<!tpu.dma_semaphore, #tpu.memory_space<semaphore_mem>>)
    %dma_start3A_116 = arith.constant 2 : i32
    %dma_start3A_117 = arith.constant 0 : i32
    %dma_start3A_118 = arith.constant 0 : i32
    %dma_start3A_119 = tpu.memref_slice %arg8[%dma_start3A_116, %dma_start3A_117, %dma_start3A_118] : memref<5x128x128xf32, #tpu.memory_space<vmem>> -> memref<1x128x128xf32, #tpu.memory_space<vmem>>
    %dma_start3A_120 = tpu.memref_squeeze %dma_start3A_119 : memref<1x128x128xf32, #tpu.memory_space<vmem>> -> memref<128x128xf32, #tpu.memory_space<vmem>>
    %dma_start3A_121 = arith.constant 56 : i32
    %dma_start3A_122 = arith.constant 0 : i32
    %dma_start3A_123 = tpu.memref_slice %arg7[%dma_start3A_121, %dma_start3A_122] : memref<400x128xf32, #tpu.memory_space<vmem_shared>> -> memref<128x128xf32, #tpu.memory_space<vmem_shared>>
    %dma_start3A_124 = arith.constant 0 : i32
    %dma_start3A_125 = arith.constant 0 : i32
    %dma_start3A_126 = tpu.memref_slice %arg8[%dma_start3A_116, %dma_start3A_124, %dma_start3A_125] : memref<5x128x128xf32, #tpu.memory_space<vmem>> -> memref<1x128x128xf32, #tpu.memory_space<vmem>>
    %dma_start3A_127 = tpu.memref_squeeze %dma_start3A_126 : memref<1x128x128xf32, #tpu.memory_space<vmem>> -> memref<128x128xf32, #tpu.memory_space<vmem>>
    %dma_start3A_128 = arith.constant 56 : i32
    %dma_start3A_129 = arith.constant 0 : i32
    %dma_start3A_130 = tpu.memref_slice %arg7[%dma_start3A_128, %dma_start3A_129] : memref<400x128xf32, #tpu.memory_space<vmem_shared>> -> memref<128x128xf32, #tpu.memory_space<vmem_shared>>
    tpu.enqueue_dma source(%dma_start3A_130 : memref<128x128xf32, #tpu.memory_space<vmem_shared>>) target(%dma_start3A_127 : memref<128x128xf32, #tpu.memory_space<vmem>>) target_semaphore(%arg11 : memref<!tpu.dma_semaphore, #tpu.memory_space<semaphore_mem>>)
    %dma_wait3A_131 = arith.constant 2 : i32
    %dma_wait3A_132 = arith.constant 0 : i32
    %dma_wait3A_133 = arith.constant 0 : i32
    %dma_wait3A_134 = tpu.memref_slice %arg8[%dma_wait3A_131, %dma_wait3A_132, %dma_wait3A_133] : memref<5x128x128xf32, #tpu.memory_space<vmem>> -> memref<1x128x128xf32, #tpu.memory_space<vmem>>
    %dma_wait3A_135 = tpu.memref_squeeze %dma_wait3A_134 : memref<1x128x128xf32, #tpu.memory_space<vmem>> -> memref<128x128xf32, #tpu.memory_space<vmem>>
    %dma_wait3A_136 = arith.constant 0 : i32
    %dma_wait3A_137 = arith.constant 0 : i32
    %dma_wait3A_138 = tpu.memref_slice %arg7[%dma_wait3A_136, %dma_wait3A_137] : memref<400x128xf32, #tpu.memory_space<vmem_shared>> -> memref<128x128xf32, #tpu.memory_space<vmem_shared>>
    %dma_wait3A_139 = arith.constant 0 : i32
    %dma_wait3A_140 = arith.constant 0 : i32
    %dma_wait3A_141 = tpu.memref_slice %arg8[%dma_wait3A_131, %dma_wait3A_139, %dma_wait3A_140] : memref<5x128x128xf32, #tpu.memory_space<vmem>> -> memref<1x128x128xf32, #tpu.memory_space<vmem>>
    %dma_wait3A_142 = tpu.memref_squeeze %dma_wait3A_141 : memref<1x128x128xf32, #tpu.memory_space<vmem>> -> memref<128x128xf32, #tpu.memory_space<vmem>>
    %dma_wait3A_143 = arith.constant 0 : i32
    %dma_wait3A_144 = arith.constant 0 : i32
    %dma_wait3A_145 = tpu.memref_slice %arg7[%dma_wait3A_143, %dma_wait3A_144] : memref<400x128xf32, #tpu.memory_space<vmem_shared>> -> memref<128x128xf32, #tpu.memory_space<vmem_shared>>
    tpu.wait_dma2 semaphore(%arg11 : memref<!tpu.dma_semaphore, #tpu.memory_space<semaphore_mem>>) src(%dma_wait3A_145 : memref<128x128xf32, #tpu.memory_space<vmem_shared>>) dst(%dma_wait3A_142 : memref<128x128xf32, #tpu.memory_space<vmem>>)
    %dma_start3A_146 = arith.constant 2 : i32
    %dma_start3A_147 = arith.constant 2 : i32
    %dma_start3A_148 = arith.constant 0 : i32
    %dma_start3A_149 = arith.constant 0 : i32
    %dma_start3A_150 = tpu.memref_slice %arg8[%dma_start3A_147, %dma_start3A_148, %dma_start3A_149] : memref<5x128x128xf32, #tpu.memory_space<vmem>> -> memref<1x128x128xf32, #tpu.memory_space<vmem>>
    %dma_start3A_151 = tpu.memref_squeeze %dma_start3A_150 : memref<1x128x128xf32, #tpu.memory_space<vmem>> -> memref<128x128xf32, #tpu.memory_space<vmem>>
    %dma_start3A_152 = arith.constant 0 : i32
    %dma_start3A_153 = tpu.memref_slice %arg6[%dma_start3A_146, %dma_start3A_152] : memref<200x128xi32, #tpu.memory_space<vmem>> -> memref<1x128xi32, #tpu.memory_space<vmem>>
    %dma_start3A_154 = tpu.memref_squeeze %dma_start3A_153 : memref<1x128xi32, #tpu.memory_space<vmem>> -> memref<128xi32, #tpu.memory_space<vmem>>
    %dma_start3A_155 = arith.constant 0 : i32
    %dma_start3A_156 = arith.constant 0 : i32
    %dma_start3A_157 = tpu.memref_slice %arg3[%dma_start3A_155, %dma_start3A_156] : memref<100000x128xf32, #tpu.memory_space<hbm>> -> memref<100000x128xf32, #tpu.memory_space<hbm>>
    tpu.enqueue_indirect_dma source(%dma_start3A_157 : memref<100000x128xf32, #tpu.memory_space<hbm>>) target(%dma_start3A_151 : memref<128x128xf32, #tpu.memory_space<vmem>>) offsets(%dma_start3A_154 : memref<128xi32, #tpu.memory_space<vmem>>) semaphore(%arg16 : memref<!tpu.dma_semaphore, #tpu.memory_space<semaphore_mem>>) {add = true}
    %dma_wait3A_158 = arith.constant 1 : i32
    %dma_wait3A_159 = arith.constant 1 : i32
    %dma_wait3A_160 = arith.constant 0 : i32
    %dma_wait3A_161 = arith.constant 0 : i32
    %dma_wait3A_162 = tpu.memref_slice %arg8[%dma_wait3A_159, %dma_wait3A_160, %dma_wait3A_161] : memref<5x128x128xf32, #tpu.memory_space<vmem>> -> memref<1x128x128xf32, #tpu.memory_space<vmem>>
    %dma_wait3A_163 = tpu.memref_squeeze %dma_wait3A_162 : memref<1x128x128xf32, #tpu.memory_space<vmem>> -> memref<128x128xf32, #tpu.memory_space<vmem>>
    %dma_wait3A_164 = arith.constant 0 : i32
    %dma_wait3A_165 = tpu.memref_slice %arg6[%dma_wait3A_158, %dma_wait3A_164] : memref<200x128xi32, #tpu.memory_space<vmem>> -> memref<1x128xi32, #tpu.memory_space<vmem>>
    %dma_wait3A_166 = tpu.memref_squeeze %dma_wait3A_165 : memref<1x128xi32, #tpu.memory_space<vmem>> -> memref<128xi32, #tpu.memory_space<vmem>>
    %dma_wait3A_167 = arith.constant 0 : i32
    %dma_wait3A_168 = arith.constant 0 : i32
    %dma_wait3A_169 = tpu.memref_slice %arg3[%dma_wait3A_167, %dma_wait3A_168] : memref<100000x128xf32, #tpu.memory_space<hbm>> -> memref<100000x128xf32, #tpu.memory_space<hbm>>
    tpu.wait_indirect_dma semaphore(%arg15 : memref<!tpu.dma_semaphore, #tpu.memory_space<semaphore_mem>>) src(%dma_wait3A_169 : memref<100000x128xf32, #tpu.memory_space<hbm>>) dst(%dma_wait3A_163 : memref<128x128xf32, #tpu.memory_space<vmem>>)
    %add3A_170 = arith.constant 1 : i32
    %add3A_171 = arith.addi %mul3A_2, %add3A_170 : i32
    %mul3A_172 = arith.constant 128 : i32
    %mul3A_173 = arith.muli %add3A_171, %mul3A_172 : i32
    %dma_start3A_174 = arith.constant 1 : i32
    %dma_start3A_175 = arith.constant 0 : i32
    %dma_start3A_176 = arith.constant 0 : i32
    %dma_start3A_177 = tpu.memref_slice %arg8[%dma_start3A_174, %dma_start3A_175, %dma_start3A_176] : memref<5x128x128xf32, #tpu.memory_space<vmem>> -> memref<1x128x128xf32, #tpu.memory_space<vmem>>
    %dma_start3A_178 = tpu.memref_squeeze %dma_start3A_177 : memref<1x128x128xf32, #tpu.memory_space<vmem>> -> memref<128x128xf32, #tpu.memory_space<vmem>>
    %dma_start3A_179 = arith.constant 0 : i32
    %dma_start3A_180 = tpu.memref_slice %arg5[%mul3A_173, %dma_start3A_179] : memref<819200x128xf32, #tpu.memory_space<hbm>> -> memref<128x128xf32, #tpu.memory_space<hbm>>
    %dma_start3A_181 = arith.constant 0 : i32
    %dma_start3A_182 = tpu.memref_slice %arg5[%mul3A_173, %dma_start3A_181] : memref<819200x128xf32, #tpu.memory_space<hbm>> -> memref<128x128xf32, #tpu.memory_space<hbm>>
    %dma_start3A_183 = arith.constant 0 : i32
    %dma_start3A_184 = arith.constant 0 : i32
    %dma_start3A_185 = tpu.memref_slice %arg8[%dma_start3A_174, %dma_start3A_183, %dma_start3A_184] : memref<5x128x128xf32, #tpu.memory_space<vmem>> -> memref<1x128x128xf32, #tpu.memory_space<vmem>>
    %dma_start3A_186 = tpu.memref_squeeze %dma_start3A_185 : memref<1x128x128xf32, #tpu.memory_space<vmem>> -> memref<128x128xf32, #tpu.memory_space<vmem>>
    tpu.enqueue_dma source(%dma_start3A_186 : memref<128x128xf32, #tpu.memory_space<vmem>>) target(%dma_start3A_182 : memref<128x128xf32, #tpu.memory_space<hbm>>) target_semaphore(%arg20 : memref<!tpu.dma_semaphore, #tpu.memory_space<semaphore_mem>>)
    %dma_start3A_187 = arith.constant 3 : i32
    %dma_start3A_188 = arith.constant 0 : i32
    %dma_start3A_189 = arith.constant 0 : i32
    %dma_start3A_190 = tpu.memref_slice %arg8[%dma_start3A_187, %dma_start3A_188, %dma_start3A_189] : memref<5x128x128xf32, #tpu.memory_space<vmem>> -> memref<1x128x128xf32, #tpu.memory_space<vmem>>
    %dma_start3A_191 = tpu.memref_squeeze %dma_start3A_190 : memref<1x128x128xf32, #tpu.memory_space<vmem>> -> memref<128x128xf32, #tpu.memory_space<vmem>>
    %dma_start3A_192 = arith.constant 184 : i32
    %dma_start3A_193 = arith.constant 0 : i32
    %dma_start3A_194 = tpu.memref_slice %arg7[%dma_start3A_192, %dma_start3A_193] : memref<400x128xf32, #tpu.memory_space<vmem_shared>> -> memref<128x128xf32, #tpu.memory_space<vmem_shared>>
    %dma_start3A_195 = arith.constant 0 : i32
    %dma_start3A_196 = arith.constant 0 : i32
    %dma_start3A_197 = tpu.memref_slice %arg8[%dma_start3A_187, %dma_start3A_195, %dma_start3A_196] : memref<5x128x128xf32, #tpu.memory_space<vmem>> -> memref<1x128x128xf32, #tpu.memory_space<vmem>>
    %dma_start3A_198 = tpu.memref_squeeze %dma_start3A_197 : memref<1x128x128xf32, #tpu.memory_space<vmem>> -> memref<128x128xf32, #tpu.memory_space<vmem>>
    %dma_start3A_199 = arith.constant 184 : i32
    %dma_start3A_200 = arith.constant 0 : i32
    %dma_start3A_201 = tpu.memref_slice %arg7[%dma_start3A_199, %dma_start3A_200] : memref<400x128xf32, #tpu.memory_space<vmem_shared>> -> memref<128x128xf32, #tpu.memory_space<vmem_shared>>
    tpu.enqueue_dma source(%dma_start3A_201 : memref<128x128xf32, #tpu.memory_space<vmem_shared>>) target(%dma_start3A_198 : memref<128x128xf32, #tpu.memory_space<vmem>>) target_semaphore(%arg12 : memref<!tpu.dma_semaphore, #tpu.memory_space<semaphore_mem>>)
    %dma_wait3A_202 = arith.constant 3 : i32
    %dma_wait3A_203 = arith.constant 0 : i32
    %dma_wait3A_204 = arith.constant 0 : i32
    %dma_wait3A_205 = tpu.memref_slice %arg8[%dma_wait3A_202, %dma_wait3A_203, %dma_wait3A_204] : memref<5x128x128xf32, #tpu.memory_space<vmem>> -> memref<1x128x128xf32, #tpu.memory_space<vmem>>
    %dma_wait3A_206 = tpu.memref_squeeze %dma_wait3A_205 : memref<1x128x128xf32, #tpu.memory_space<vmem>> -> memref<128x128xf32, #tpu.memory_space<vmem>>
    %dma_wait3A_207 = arith.constant 0 : i32
    %dma_wait3A_208 = arith.constant 0 : i32
    %dma_wait3A_209 = tpu.memref_slice %arg7[%dma_wait3A_207, %dma_wait3A_208] : memref<400x128xf32, #tpu.memory_space<vmem_shared>> -> memref<128x128xf32, #tpu.memory_space<vmem_shared>>
    %dma_wait3A_210 = arith.constant 0 : i32
    %dma_wait3A_211 = arith.constant 0 : i32
    %dma_wait3A_212 = tpu.memref_slice %arg8[%dma_wait3A_202, %dma_wait3A_210, %dma_wait3A_211] : memref<5x128x128xf32, #tpu.memory_space<vmem>> -> memref<1x128x128xf32, #tpu.memory_space<vmem>>
    %dma_wait3A_213 = tpu.memref_squeeze %dma_wait3A_212 : memref<1x128x128xf32, #tpu.memory_space<vmem>> -> memref<128x128xf32, #tpu.memory_space<vmem>>
    %dma_wait3A_214 = arith.constant 0 : i32
    %dma_wait3A_215 = arith.constant 0 : i32
    %dma_wait3A_216 = tpu.memref_slice %arg7[%dma_wait3A_214, %dma_wait3A_215] : memref<400x128xf32, #tpu.memory_space<vmem_shared>> -> memref<128x128xf32, #tpu.memory_space<vmem_shared>>
    tpu.wait_dma2 semaphore(%arg12 : memref<!tpu.dma_semaphore, #tpu.memory_space<semaphore_mem>>) src(%dma_wait3A_216 : memref<128x128xf32, #tpu.memory_space<vmem_shared>>) dst(%dma_wait3A_213 : memref<128x128xf32, #tpu.memory_space<vmem>>)
    %dma_start3A_217 = arith.constant 3 : i32
    %dma_start3A_218 = arith.constant 3 : i32
    %dma_start3A_219 = arith.constant 0 : i32
    %dma_start3A_220 = arith.constant 0 : i32
    %dma_start3A_221 = tpu.memref_slice %arg8[%dma_start3A_218, %dma_start3A_219, %dma_start3A_220] : memref<5x128x128xf32, #tpu.memory_space<vmem>> -> memref<1x128x128xf32, #tpu.memory_space<vmem>>
    %dma_start3A_222 = tpu.memref_squeeze %dma_start3A_221 : memref<1x128x128xf32, #tpu.memory_space<vmem>> -> memref<128x128xf32, #tpu.memory_space<vmem>>
    %dma_start3A_223 = arith.constant 0 : i32
    %dma_start3A_224 = tpu.memref_slice %arg6[%dma_start3A_217, %dma_start3A_223] : memref<200x128xi32, #tpu.memory_space<vmem>> -> memref<1x128xi32, #tpu.memory_space<vmem>>
    %dma_start3A_225 = tpu.memref_squeeze %dma_start3A_224 : memref<1x128xi32, #tpu.memory_space<vmem>> -> memref<128xi32, #tpu.memory_space<vmem>>
    %dma_start3A_226 = arith.constant 0 : i32
    %dma_start3A_227 = arith.constant 0 : i32
    %dma_start3A_228 = tpu.memref_slice %arg3[%dma_start3A_226, %dma_start3A_227] : memref<100000x128xf32, #tpu.memory_space<hbm>> -> memref<100000x128xf32, #tpu.memory_space<hbm>>
    tpu.enqueue_indirect_dma source(%dma_start3A_228 : memref<100000x128xf32, #tpu.memory_space<hbm>>) target(%dma_start3A_222 : memref<128x128xf32, #tpu.memory_space<vmem>>) offsets(%dma_start3A_225 : memref<128xi32, #tpu.memory_space<vmem>>) semaphore(%arg17 : memref<!tpu.dma_semaphore, #tpu.memory_space<semaphore_mem>>) {add = true}
    %dma_wait3A_229 = arith.constant 2 : i32
    %dma_wait3A_230 = arith.constant 2 : i32
    %dma_wait3A_231 = arith.constant 0 : i32
    %dma_wait3A_232 = arith.constant 0 : i32
    %dma_wait3A_233 = tpu.memref_slice %arg8[%dma_wait3A_230, %dma_wait3A_231, %dma_wait3A_232] : memref<5x128x128xf32, #tpu.memory_space<vmem>> -> memref<1x128x128xf32, #tpu.memory_space<vmem>>
    %dma_wait3A_234 = tpu.memref_squeeze %dma_wait3A_233 : memref<1x128x128xf32, #tpu.memory_space<vmem>> -> memref<128x128xf32, #tpu.memory_space<vmem>>
    %dma_wait3A_235 = arith.constant 0 : i32
    %dma_wait3A_236 = tpu.memref_slice %arg6[%dma_wait3A_229, %dma_wait3A_235] : memref<200x128xi32, #tpu.memory_space<vmem>> -> memref<1x128xi32, #tpu.memory_space<vmem>>
    %dma_wait3A_237 = tpu.memref_squeeze %dma_wait3A_236 : memref<1x128xi32, #tpu.memory_space<vmem>> -> memref<128xi32, #tpu.memory_space<vmem>>
    %dma_wait3A_238 = arith.constant 0 : i32
    %dma_wait3A_239 = arith.constant 0 : i32
    %dma_wait3A_240 = tpu.memref_slice %arg3[%dma_wait3A_238, %dma_wait3A_239] : memref<100000x128xf32, #tpu.memory_space<hbm>> -> memref<100000x128xf32, #tpu.memory_space<hbm>>
    tpu.wait_indirect_dma semaphore(%arg16 : memref<!tpu.dma_semaphore, #tpu.memory_space<semaphore_mem>>) src(%dma_wait3A_240 : memref<100000x128xf32, #tpu.memory_space<hbm>>) dst(%dma_wait3A_234 : memref<128x128xf32, #tpu.memory_space<vmem>>)
    %add3A_241 = arith.constant 2 : i32
    %add3A_242 = arith.addi %mul3A_2, %add3A_241 : i32
    %mul3A_243 = arith.constant 128 : i32
    %mul3A_244 = arith.muli %add3A_242, %mul3A_243 : i32
    %dma_start3A_245 = arith.constant 2 : i32
    %dma_start3A_246 = arith.constant 0 : i32
    %dma_start3A_247 = arith.constant 0 : i32
    %dma_start3A_248 = tpu.memref_slice %arg8[%dma_start3A_245, %dma_start3A_246, %dma_start3A_247] : memref<5x128x128xf32, #tpu.memory_space<vmem>> -> memref<1x128x128xf32, #tpu.memory_space<vmem>>
    %dma_start3A_249 = tpu.memref_squeeze %dma_start3A_248 : memref<1x128x128xf32, #tpu.memory_space<vmem>> -> memref<128x128xf32, #tpu.memory_space<vmem>>
    %dma_start3A_250 = arith.constant 0 : i32
    %dma_start3A_251 = tpu.memref_slice %arg5[%mul3A_244, %dma_start3A_250] : memref<819200x128xf32, #tpu.memory_space<hbm>> -> memref<128x128xf32, #tpu.memory_space<hbm>>
    %dma_start3A_252 = arith.constant 0 : i32
    %dma_start3A_253 = tpu.memref_slice %arg5[%mul3A_244, %dma_start3A_252] : memref<819200x128xf32, #tpu.memory_space<hbm>> -> memref<128x128xf32, #tpu.memory_space<hbm>>
    %dma_start3A_254 = arith.constant 0 : i32
    %dma_start3A_255 = arith.constant 0 : i32
    %dma_start3A_256 = tpu.memref_slice %arg8[%dma_start3A_245, %dma_start3A_254, %dma_start3A_255] : memref<5x128x128xf32, #tpu.memory_space<vmem>> -> memref<1x128x128xf32, #tpu.memory_space<vmem>>
    %dma_start3A_257 = tpu.memref_squeeze %dma_start3A_256 : memref<1x128x128xf32, #tpu.memory_space<vmem>> -> memref<128x128xf32, #tpu.memory_space<vmem>>
    tpu.enqueue_dma source(%dma_start3A_257 : memref<128x128xf32, #tpu.memory_space<vmem>>) target(%dma_start3A_253 : memref<128x128xf32, #tpu.memory_space<hbm>>) target_semaphore(%arg21 : memref<!tpu.dma_semaphore, #tpu.memory_space<semaphore_mem>>)
    %dma_start3A_258 = arith.constant 4 : i32
    %dma_start3A_259 = arith.constant 0 : i32
    %dma_start3A_260 = arith.constant 0 : i32
    %dma_start3A_261 = tpu.memref_slice %arg8[%dma_start3A_258, %dma_start3A_259, %dma_start3A_260] : memref<5x128x128xf32, #tpu.memory_space<vmem>> -> memref<1x128x128xf32, #tpu.memory_space<vmem>>
    %dma_start3A_262 = tpu.memref_squeeze %dma_start3A_261 : memref<1x128x128xf32, #tpu.memory_space<vmem>> -> memref<128x128xf32, #tpu.memory_space<vmem>>
    %dma_start3A_263 = arith.constant 112 : i32
    %dma_start3A_264 = arith.constant 0 : i32
    %dma_start3A_265 = tpu.memref_slice %arg7[%dma_start3A_263, %dma_start3A_264] : memref<400x128xf32, #tpu.memory_space<vmem_shared>> -> memref<128x128xf32, #tpu.memory_space<vmem_shared>>
    %dma_start3A_266 = arith.constant 0 : i32
    %dma_start3A_267 = arith.constant 0 : i32
    %dma_start3A_268 = tpu.memref_slice %arg8[%dma_start3A_258, %dma_start3A_266, %dma_start3A_267] : memref<5x128x128xf32, #tpu.memory_space<vmem>> -> memref<1x128x128xf32, #tpu.memory_space<vmem>>
    %dma_start3A_269 = tpu.memref_squeeze %dma_start3A_268 : memref<1x128x128xf32, #tpu.memory_space<vmem>> -> memref<128x128xf32, #tpu.memory_space<vmem>>
    %dma_start3A_270 = arith.constant 112 : i32
    %dma_start3A_271 = arith.constant 0 : i32
    %dma_start3A_272 = tpu.memref_slice %arg7[%dma_start3A_270, %dma_start3A_271] : memref<400x128xf32, #tpu.memory_space<vmem_shared>> -> memref<128x128xf32, #tpu.memory_space<vmem_shared>>
    tpu.enqueue_dma source(%dma_start3A_272 : memref<128x128xf32, #tpu.memory_space<vmem_shared>>) target(%dma_start3A_269 : memref<128x128xf32, #tpu.memory_space<vmem>>) target_semaphore(%arg13 : memref<!tpu.dma_semaphore, #tpu.memory_space<semaphore_mem>>)
    %scan3A = arith.constant 0 : i32
    %scan3A_273 = arith.constant 0 : i32
    %scan3A_274 = arith.constant 39 : i32
    %scan3A_275 = arith.addi %scan3A_273, %scan3A_274 : i32
    %scan3A_276 = arith.constant 1 : i32
    scf.for %scan3A_438 = %scan3A_273 to %scan3A_275 step %scan3A_276  : i32 {
      %mul3A_439 = arith.constant 5 : i32
      %mul3A_440 = arith.muli %mul3A_439, %scan3A_438 : i32
      %add3A_441 = arith.constant 3 : i32
      %add3A_442 = arith.addi %add3A_441, %mul3A_440 : i32
      %add3A_443 = arith.constant 0 : i32
      %add3A_444 = arith.addi %add3A_442, %add3A_443 : i32
      %dma_wait3A_445 = arith.constant 4 : i32
      %dma_wait3A_446 = arith.constant 0 : i32
      %dma_wait3A_447 = arith.constant 0 : i32
      %dma_wait3A_448 = tpu.memref_slice %arg8[%dma_wait3A_445, %dma_wait3A_446, %dma_wait3A_447] : memref<5x128x128xf32, #tpu.memory_space<vmem>> -> memref<1x128x128xf32, #tpu.memory_space<vmem>>
      %dma_wait3A_449 = tpu.memref_squeeze %dma_wait3A_448 : memref<1x128x128xf32, #tpu.memory_space<vmem>> -> memref<128x128xf32, #tpu.memory_space<vmem>>
      %dma_wait3A_450 = arith.constant 0 : i32
      %dma_wait3A_451 = arith.constant 0 : i32
      %dma_wait3A_452 = tpu.memref_slice %arg7[%dma_wait3A_450, %dma_wait3A_451] : memref<400x128xf32, #tpu.memory_space<vmem_shared>> -> memref<128x128xf32, #tpu.memory_space<vmem_shared>>
      %dma_wait3A_453 = arith.constant 0 : i32
      %dma_wait3A_454 = arith.constant 0 : i32
      %dma_wait3A_455 = tpu.memref_slice %arg8[%dma_wait3A_445, %dma_wait3A_453, %dma_wait3A_454] : memref<5x128x128xf32, #tpu.memory_space<vmem>> -> memref<1x128x128xf32, #tpu.memory_space<vmem>>
      %dma_wait3A_456 = tpu.memref_squeeze %dma_wait3A_455 : memref<1x128x128xf32, #tpu.memory_space<vmem>> -> memref<128x128xf32, #tpu.memory_space<vmem>>
      %dma_wait3A_457 = arith.constant 0 : i32
      %dma_wait3A_458 = arith.constant 0 : i32
      %dma_wait3A_459 = tpu.memref_slice %arg7[%dma_wait3A_457, %dma_wait3A_458] : memref<400x128xf32, #tpu.memory_space<vmem_shared>> -> memref<128x128xf32, #tpu.memory_space<vmem_shared>>
      tpu.wait_dma2 semaphore(%arg13 : memref<!tpu.dma_semaphore, #tpu.memory_space<semaphore_mem>>) src(%dma_wait3A_459 : memref<128x128xf32, #tpu.memory_space<vmem_shared>>) dst(%dma_wait3A_456 : memref<128x128xf32, #tpu.memory_space<vmem>>)
      %add3A_460 = arith.constant 1 : i32
      %add3A_461 = arith.addi %add3A_444, %add3A_460 : i32
      %dma_start3A_462 = arith.constant 4 : i32
      %dma_start3A_463 = arith.constant 0 : i32
      %dma_start3A_464 = arith.constant 0 : i32
      %dma_start3A_465 = tpu.memref_slice %arg8[%dma_start3A_462, %dma_start3A_463, %dma_start3A_464] : memref<5x128x128xf32, #tpu.memory_space<vmem>> -> memref<1x128x128xf32, #tpu.memory_space<vmem>>
      %dma_start3A_466 = tpu.memref_squeeze %dma_start3A_465 : memref<1x128x128xf32, #tpu.memory_space<vmem>> -> memref<128x128xf32, #tpu.memory_space<vmem>>
      %dma_start3A_467 = arith.constant 0 : i32
      %dma_start3A_468 = tpu.memref_slice %arg6[%add3A_461, %dma_start3A_467] : memref<200x128xi32, #tpu.memory_space<vmem>> -> memref<1x128xi32, #tpu.memory_space<vmem>>
      %dma_start3A_469 = tpu.memref_squeeze %dma_start3A_468 : memref<1x128xi32, #tpu.memory_space<vmem>> -> memref<128xi32, #tpu.memory_space<vmem>>
      %dma_start3A_470 = arith.constant 0 : i32
      %dma_start3A_471 = arith.constant 0 : i32
      %dma_start3A_472 = tpu.memref_slice %arg3[%dma_start3A_470, %dma_start3A_471] : memref<100000x128xf32, #tpu.memory_space<hbm>> -> memref<100000x128xf32, #tpu.memory_space<hbm>>
      tpu.enqueue_indirect_dma source(%dma_start3A_472 : memref<100000x128xf32, #tpu.memory_space<hbm>>) target(%dma_start3A_466 : memref<128x128xf32, #tpu.memory_space<vmem>>) offsets(%dma_start3A_469 : memref<128xi32, #tpu.memory_space<vmem>>) semaphore(%arg18 : memref<!tpu.dma_semaphore, #tpu.memory_space<semaphore_mem>>) {add = true}
      %dma_wait3A_473 = arith.constant 3 : i32
      %dma_wait3A_474 = arith.constant 0 : i32
      %dma_wait3A_475 = arith.constant 0 : i32
      %dma_wait3A_476 = tpu.memref_slice %arg8[%dma_wait3A_473, %dma_wait3A_474, %dma_wait3A_475] : memref<5x128x128xf32, #tpu.memory_space<vmem>> -> memref<1x128x128xf32, #tpu.memory_space<vmem>>
      %dma_wait3A_477 = tpu.memref_squeeze %dma_wait3A_476 : memref<1x128x128xf32, #tpu.memory_space<vmem>> -> memref<128x128xf32, #tpu.memory_space<vmem>>
      %dma_wait3A_478 = arith.constant 0 : i32
      %dma_wait3A_479 = tpu.memref_slice %arg6[%add3A_444, %dma_wait3A_478] : memref<200x128xi32, #tpu.memory_space<vmem>> -> memref<1x128xi32, #tpu.memory_space<vmem>>
      %dma_wait3A_480 = tpu.memref_squeeze %dma_wait3A_479 : memref<1x128xi32, #tpu.memory_space<vmem>> -> memref<128xi32, #tpu.memory_space<vmem>>
      %dma_wait3A_481 = arith.constant 0 : i32
      %dma_wait3A_482 = arith.constant 0 : i32
      %dma_wait3A_483 = tpu.memref_slice %arg3[%dma_wait3A_481, %dma_wait3A_482] : memref<100000x128xf32, #tpu.memory_space<hbm>> -> memref<100000x128xf32, #tpu.memory_space<hbm>>
      tpu.wait_indirect_dma semaphore(%arg17 : memref<!tpu.dma_semaphore, #tpu.memory_space<semaphore_mem>>) src(%dma_wait3A_483 : memref<100000x128xf32, #tpu.memory_space<hbm>>) dst(%dma_wait3A_477 : memref<128x128xf32, #tpu.memory_space<vmem>>)
      %add3A_484 = arith.addi %mul3A_2, %add3A_444 : i32
      %mul3A_485 = arith.constant 128 : i32
      %mul3A_486 = arith.muli %add3A_484, %mul3A_485 : i32
      %dma_start3A_487 = arith.constant 3 : i32
      %dma_start3A_488 = arith.constant 0 : i32
      %dma_start3A_489 = arith.constant 0 : i32
      %dma_start3A_490 = tpu.memref_slice %arg8[%dma_start3A_487, %dma_start3A_488, %dma_start3A_489] : memref<5x128x128xf32, #tpu.memory_space<vmem>> -> memref<1x128x128xf32, #tpu.memory_space<vmem>>
      %dma_start3A_491 = tpu.memref_squeeze %dma_start3A_490 : memref<1x128x128xf32, #tpu.memory_space<vmem>> -> memref<128x128xf32, #tpu.memory_space<vmem>>
      %dma_start3A_492 = arith.constant 0 : i32
      %dma_start3A_493 = tpu.memref_slice %arg5[%mul3A_486, %dma_start3A_492] : memref<819200x128xf32, #tpu.memory_space<hbm>> -> memref<128x128xf32, #tpu.memory_space<hbm>>
      %dma_start3A_494 = arith.constant 0 : i32
      %dma_start3A_495 = tpu.memref_slice %arg5[%mul3A_486, %dma_start3A_494] : memref<819200x128xf32, #tpu.memory_space<hbm>> -> memref<128x128xf32, #tpu.memory_space<hbm>>
      %dma_start3A_496 = arith.constant 0 : i32
      %dma_start3A_497 = arith.constant 0 : i32
      %dma_start3A_498 = tpu.memref_slice %arg8[%dma_start3A_487, %dma_start3A_496, %dma_start3A_497] : memref<5x128x128xf32, #tpu.memory_space<vmem>> -> memref<1x128x128xf32, #tpu.memory_space<vmem>>
      %dma_start3A_499 = tpu.memref_squeeze %dma_start3A_498 : memref<1x128x128xf32, #tpu.memory_space<vmem>> -> memref<128x128xf32, #tpu.memory_space<vmem>>
      tpu.enqueue_dma source(%dma_start3A_499 : memref<128x128xf32, #tpu.memory_space<vmem>>) target(%dma_start3A_495 : memref<128x128xf32, #tpu.memory_space<hbm>>) target_semaphore(%arg22 : memref<!tpu.dma_semaphore, #tpu.memory_space<semaphore_mem>>)
      %dma_wait3A_500 = arith.constant 0 : i32
      %dma_wait3A_501 = arith.constant 0 : i32
      %dma_wait3A_502 = arith.constant 0 : i32
      %dma_wait3A_503 = tpu.memref_slice %arg8[%dma_wait3A_500, %dma_wait3A_501, %dma_wait3A_502] : memref<5x128x128xf32, #tpu.memory_space<vmem>> -> memref<1x128x128xf32, #tpu.memory_space<vmem>>
      %dma_wait3A_504 = tpu.memref_squeeze %dma_wait3A_503 : memref<1x128x128xf32, #tpu.memory_space<vmem>> -> memref<128x128xf32, #tpu.memory_space<vmem>>
      %dma_wait3A_505 = arith.constant 0 : i32
      %dma_wait3A_506 = arith.constant 0 : i32
      %dma_wait3A_507 = tpu.memref_slice %arg5[%dma_wait3A_505, %dma_wait3A_506] : memref<819200x128xf32, #tpu.memory_space<hbm>> -> memref<128x128xf32, #tpu.memory_space<hbm>>
      %dma_wait3A_508 = arith.constant 0 : i32
      %dma_wait3A_509 = arith.constant 0 : i32
      %dma_wait3A_510 = tpu.memref_slice %arg5[%dma_wait3A_508, %dma_wait3A_509] : memref<819200x128xf32, #tpu.memory_space<hbm>> -> memref<128x128xf32, #tpu.memory_space<hbm>>
      %dma_wait3A_511 = arith.constant 0 : i32
      %dma_wait3A_512 = arith.constant 0 : i32
      %dma_wait3A_513 = tpu.memref_slice %arg8[%dma_wait3A_500, %dma_wait3A_511, %dma_wait3A_512] : memref<5x128x128xf32, #tpu.memory_space<vmem>> -> memref<1x128x128xf32, #tpu.memory_space<vmem>>
      %dma_wait3A_514 = tpu.memref_squeeze %dma_wait3A_513 : memref<1x128x128xf32, #tpu.memory_space<vmem>> -> memref<128x128xf32, #tpu.memory_space<vmem>>
      tpu.wait_dma2 semaphore(%arg19 : memref<!tpu.dma_semaphore, #tpu.memory_space<semaphore_mem>>) src(%dma_wait3A_514 : memref<128x128xf32, #tpu.memory_space<vmem>>) dst(%dma_wait3A_510 : memref<128x128xf32, #tpu.memory_space<hbm>>)
      %add3A_515 = arith.constant 2 : i32
      %add3A_516 = arith.addi %add3A_444, %add3A_515 : i32
      %mul3A_517 = arith.constant 128 : i32
      %mul3A_518 = arith.muli %add3A_516, %mul3A_517 : i32
      %jit3A = arith.constant 200 : i32
      %eq3A_519 = arith.constant 0 : i32
      %eq3A_520 = arith.cmpi eq, %jit3A, %eq3A_519 : i32
      %jit3A_521 = arith.constant 1 : i32
      %select_n3A = arith.select %eq3A_520, %jit3A_521, %jit3A : i32
      %rem3A = arith.remsi %mul3A_518, %select_n3A : i32
      %ne3A = arith.constant 0 : i32
      %ne3A_522 = arith.cmpi ne, %rem3A, %ne3A : i32
      %lt3A = arith.constant 0 : i32
      %lt3A_523 = arith.cmpi slt, %rem3A, %lt3A : i32
      %lt3A_524 = arith.constant 0 : i32
      %lt3A_525 = arith.cmpi slt, %select_n3A, %lt3A_524 : i32
      %ne3A_526 = arith.xori %lt3A_523, %lt3A_525 : i1
      %and3A = arith.andi %ne3A_526, %ne3A_522 : i1
      %add3A_527 = arith.addi %rem3A, %select_n3A : i32
      %select_n3A_528 = arith.select %and3A, %add3A_527, %rem3A : i32
      %dma_start3A_529 = arith.constant 0 : i32
      %dma_start3A_530 = arith.constant 0 : i32
      %dma_start3A_531 = arith.constant 0 : i32
      %dma_start3A_532 = tpu.memref_slice %arg8[%dma_start3A_529, %dma_start3A_530, %dma_start3A_531] : memref<5x128x128xf32, #tpu.memory_space<vmem>> -> memref<1x128x128xf32, #tpu.memory_space<vmem>>
      %dma_start3A_533 = tpu.memref_squeeze %dma_start3A_532 : memref<1x128x128xf32, #tpu.memory_space<vmem>> -> memref<128x128xf32, #tpu.memory_space<vmem>>
      %dma_start3A_534 = arith.constant 0 : i32
      %dma_start3A_535 = tpu.memref_slice %arg7[%select_n3A_528, %dma_start3A_534] : memref<400x128xf32, #tpu.memory_space<vmem_shared>> -> memref<128x128xf32, #tpu.memory_space<vmem_shared>>
      %dma_start3A_536 = arith.constant 0 : i32
      %dma_start3A_537 = arith.constant 0 : i32
      %dma_start3A_538 = tpu.memref_slice %arg8[%dma_start3A_529, %dma_start3A_536, %dma_start3A_537] : memref<5x128x128xf32, #tpu.memory_space<vmem>> -> memref<1x128x128xf32, #tpu.memory_space<vmem>>
      %dma_start3A_539 = tpu.memref_squeeze %dma_start3A_538 : memref<1x128x128xf32, #tpu.memory_space<vmem>> -> memref<128x128xf32, #tpu.memory_space<vmem>>
      %dma_start3A_540 = arith.constant 0 : i32
      %dma_start3A_541 = tpu.memref_slice %arg7[%select_n3A_528, %dma_start3A_540] : memref<400x128xf32, #tpu.memory_space<vmem_shared>> -> memref<128x128xf32, #tpu.memory_space<vmem_shared>>
      tpu.enqueue_dma source(%dma_start3A_541 : memref<128x128xf32, #tpu.memory_space<vmem_shared>>) target(%dma_start3A_539 : memref<128x128xf32, #tpu.memory_space<vmem>>) target_semaphore(%arg9 : memref<!tpu.dma_semaphore, #tpu.memory_space<semaphore_mem>>)
      %add3A_542 = arith.constant 1 : i32
      %add3A_543 = arith.addi %add3A_442, %add3A_542 : i32
      %dma_wait3A_544 = arith.constant 0 : i32
      %dma_wait3A_545 = arith.constant 0 : i32
      %dma_wait3A_546 = arith.constant 0 : i32
      %dma_wait3A_547 = tpu.memref_slice %arg8[%dma_wait3A_544, %dma_wait3A_545, %dma_wait3A_546] : memref<5x128x128xf32, #tpu.memory_space<vmem>> -> memref<1x128x128xf32, #tpu.memory_space<vmem>>
      %dma_wait3A_548 = tpu.memref_squeeze %dma_wait3A_547 : memref<1x128x128xf32, #tpu.memory_space<vmem>> -> memref<128x128xf32, #tpu.memory_space<vmem>>
      %dma_wait3A_549 = arith.constant 0 : i32
      %dma_wait3A_550 = arith.constant 0 : i32
      %dma_wait3A_551 = tpu.memref_slice %arg7[%dma_wait3A_549, %dma_wait3A_550] : memref<400x128xf32, #tpu.memory_space<vmem_shared>> -> memref<128x128xf32, #tpu.memory_space<vmem_shared>>
      %dma_wait3A_552 = arith.constant 0 : i32
      %dma_wait3A_553 = arith.constant 0 : i32
      %dma_wait3A_554 = tpu.memref_slice %arg8[%dma_wait3A_544, %dma_wait3A_552, %dma_wait3A_553] : memref<5x128x128xf32, #tpu.memory_space<vmem>> -> memref<1x128x128xf32, #tpu.memory_space<vmem>>
      %dma_wait3A_555 = tpu.memref_squeeze %dma_wait3A_554 : memref<1x128x128xf32, #tpu.memory_space<vmem>> -> memref<128x128xf32, #tpu.memory_space<vmem>>
      %dma_wait3A_556 = arith.constant 0 : i32
      %dma_wait3A_557 = arith.constant 0 : i32
      %dma_wait3A_558 = tpu.memref_slice %arg7[%dma_wait3A_556, %dma_wait3A_557] : memref<400x128xf32, #tpu.memory_space<vmem_shared>> -> memref<128x128xf32, #tpu.memory_space<vmem_shared>>
      tpu.wait_dma2 semaphore(%arg9 : memref<!tpu.dma_semaphore, #tpu.memory_space<semaphore_mem>>) src(%dma_wait3A_558 : memref<128x128xf32, #tpu.memory_space<vmem_shared>>) dst(%dma_wait3A_555 : memref<128x128xf32, #tpu.memory_space<vmem>>)
      %add3A_559 = arith.constant 1 : i32
      %add3A_560 = arith.addi %add3A_543, %add3A_559 : i32
      %dma_start3A_561 = arith.constant 0 : i32
      %dma_start3A_562 = arith.constant 0 : i32
      %dma_start3A_563 = arith.constant 0 : i32
      %dma_start3A_564 = tpu.memref_slice %arg8[%dma_start3A_561, %dma_start3A_562, %dma_start3A_563] : memref<5x128x128xf32, #tpu.memory_space<vmem>> -> memref<1x128x128xf32, #tpu.memory_space<vmem>>
      %dma_start3A_565 = tpu.memref_squeeze %dma_start3A_564 : memref<1x128x128xf32, #tpu.memory_space<vmem>> -> memref<128x128xf32, #tpu.memory_space<vmem>>
      %dma_start3A_566 = arith.constant 0 : i32
      %dma_start3A_567 = tpu.memref_slice %arg6[%add3A_560, %dma_start3A_566] : memref<200x128xi32, #tpu.memory_space<vmem>> -> memref<1x128xi32, #tpu.memory_space<vmem>>
      %dma_start3A_568 = tpu.memref_squeeze %dma_start3A_567 : memref<1x128xi32, #tpu.memory_space<vmem>> -> memref<128xi32, #tpu.memory_space<vmem>>
      %dma_start3A_569 = arith.constant 0 : i32
      %dma_start3A_570 = arith.constant 0 : i32
      %dma_start3A_571 = tpu.memref_slice %arg3[%dma_start3A_569, %dma_start3A_570] : memref<100000x128xf32, #tpu.memory_space<hbm>> -> memref<100000x128xf32, #tpu.memory_space<hbm>>
      tpu.enqueue_indirect_dma source(%dma_start3A_571 : memref<100000x128xf32, #tpu.memory_space<hbm>>) target(%dma_start3A_565 : memref<128x128xf32, #tpu.memory_space<vmem>>) offsets(%dma_start3A_568 : memref<128xi32, #tpu.memory_space<vmem>>) semaphore(%arg14 : memref<!tpu.dma_semaphore, #tpu.memory_space<semaphore_mem>>) {add = true}
      %dma_wait3A_572 = arith.constant 4 : i32
      %dma_wait3A_573 = arith.constant 0 : i32
      %dma_wait3A_574 = arith.constant 0 : i32
      %dma_wait3A_575 = tpu.memref_slice %arg8[%dma_wait3A_572, %dma_wait3A_573, %dma_wait3A_574] : memref<5x128x128xf32, #tpu.memory_space<vmem>> -> memref<1x128x128xf32, #tpu.memory_space<vmem>>
      %dma_wait3A_576 = tpu.memref_squeeze %dma_wait3A_575 : memref<1x128x128xf32, #tpu.memory_space<vmem>> -> memref<128x128xf32, #tpu.memory_space<vmem>>
      %dma_wait3A_577 = arith.constant 0 : i32
      %dma_wait3A_578 = tpu.memref_slice %arg6[%add3A_543, %dma_wait3A_577] : memref<200x128xi32, #tpu.memory_space<vmem>> -> memref<1x128xi32, #tpu.memory_space<vmem>>
      %dma_wait3A_579 = tpu.memref_squeeze %dma_wait3A_578 : memref<1x128xi32, #tpu.memory_space<vmem>> -> memref<128xi32, #tpu.memory_space<vmem>>
      %dma_wait3A_580 = arith.constant 0 : i32
      %dma_wait3A_581 = arith.constant 0 : i32
      %dma_wait3A_582 = tpu.memref_slice %arg3[%dma_wait3A_580, %dma_wait3A_581] : memref<100000x128xf32, #tpu.memory_space<hbm>> -> memref<100000x128xf32, #tpu.memory_space<hbm>>
      tpu.wait_indirect_dma semaphore(%arg18 : memref<!tpu.dma_semaphore, #tpu.memory_space<semaphore_mem>>) src(%dma_wait3A_582 : memref<100000x128xf32, #tpu.memory_space<hbm>>) dst(%dma_wait3A_576 : memref<128x128xf32, #tpu.memory_space<vmem>>)
      %add3A_583 = arith.addi %mul3A_2, %add3A_543 : i32
      %mul3A_584 = arith.constant 128 : i32
      %mul3A_585 = arith.muli %add3A_583, %mul3A_584 : i32
      %dma_start3A_586 = arith.constant 4 : i32
      %dma_start3A_587 = arith.constant 0 : i32
      %dma_start3A_588 = arith.constant 0 : i32
      %dma_start3A_589 = tpu.memref_slice %arg8[%dma_start3A_586, %dma_start3A_587, %dma_start3A_588] : memref<5x128x128xf32, #tpu.memory_space<vmem>> -> memref<1x128x128xf32, #tpu.memory_space<vmem>>
      %dma_start3A_590 = tpu.memref_squeeze %dma_start3A_589 : memref<1x128x128xf32, #tpu.memory_space<vmem>> -> memref<128x128xf32, #tpu.memory_space<vmem>>
      %dma_start3A_591 = arith.constant 0 : i32
      %dma_start3A_592 = tpu.memref_slice %arg5[%mul3A_585, %dma_start3A_591] : memref<819200x128xf32, #tpu.memory_space<hbm>> -> memref<128x128xf32, #tpu.memory_space<hbm>>
      %dma_start3A_593 = arith.constant 0 : i32
      %dma_start3A_594 = tpu.memref_slice %arg5[%mul3A_585, %dma_start3A_593] : memref<819200x128xf32, #tpu.memory_space<hbm>> -> memref<128x128xf32, #tpu.memory_space<hbm>>
      %dma_start3A_595 = arith.constant 0 : i32
      %dma_start3A_596 = arith.constant 0 : i32
      %dma_start3A_597 = tpu.memref_slice %arg8[%dma_start3A_586, %dma_start3A_595, %dma_start3A_596] : memref<5x128x128xf32, #tpu.memory_space<vmem>> -> memref<1x128x128xf32, #tpu.memory_space<vmem>>
      %dma_start3A_598 = tpu.memref_squeeze %dma_start3A_597 : memref<1x128x128xf32, #tpu.memory_space<vmem>> -> memref<128x128xf32, #tpu.memory_space<vmem>>
      tpu.enqueue_dma source(%dma_start3A_598 : memref<128x128xf32, #tpu.memory_space<vmem>>) target(%dma_start3A_594 : memref<128x128xf32, #tpu.memory_space<hbm>>) target_semaphore(%arg23 : memref<!tpu.dma_semaphore, #tpu.memory_space<semaphore_mem>>)
      %dma_wait3A_599 = arith.constant 1 : i32
      %dma_wait3A_600 = arith.constant 0 : i32
      %dma_wait3A_601 = arith.constant 0 : i32
      %dma_wait3A_602 = tpu.memref_slice %arg8[%dma_wait3A_599, %dma_wait3A_600, %dma_wait3A_601] : memref<5x128x128xf32, #tpu.memory_space<vmem>> -> memref<1x128x128xf32, #tpu.memory_space<vmem>>
      %dma_wait3A_603 = tpu.memref_squeeze %dma_wait3A_602 : memref<1x128x128xf32, #tpu.memory_space<vmem>> -> memref<128x128xf32, #tpu.memory_space<vmem>>
      %dma_wait3A_604 = arith.constant 0 : i32
      %dma_wait3A_605 = arith.constant 0 : i32
      %dma_wait3A_606 = tpu.memref_slice %arg5[%dma_wait3A_604, %dma_wait3A_605] : memref<819200x128xf32, #tpu.memory_space<hbm>> -> memref<128x128xf32, #tpu.memory_space<hbm>>
      %dma_wait3A_607 = arith.constant 0 : i32
      %dma_wait3A_608 = arith.constant 0 : i32
      %dma_wait3A_609 = tpu.memref_slice %arg5[%dma_wait3A_607, %dma_wait3A_608] : memref<819200x128xf32, #tpu.memory_space<hbm>> -> memref<128x128xf32, #tpu.memory_space<hbm>>
      %dma_wait3A_610 = arith.constant 0 : i32
      %dma_wait3A_611 = arith.constant 0 : i32
      %dma_wait3A_612 = tpu.memref_slice %arg8[%dma_wait3A_599, %dma_wait3A_610, %dma_wait3A_611] : memref<5x128x128xf32, #tpu.memory_space<vmem>> -> memref<1x128x128xf32, #tpu.memory_space<vmem>>
      %dma_wait3A_613 = tpu.memref_squeeze %dma_wait3A_612 : memref<1x128x128xf32, #tpu.memory_space<vmem>> -> memref<128x128xf32, #tpu.memory_space<vmem>>
      tpu.wait_dma2 semaphore(%arg20 : memref<!tpu.dma_semaphore, #tpu.memory_space<semaphore_mem>>) src(%dma_wait3A_613 : memref<128x128xf32, #tpu.memory_space<vmem>>) dst(%dma_wait3A_609 : memref<128x128xf32, #tpu.memory_space<hbm>>)
      %add3A_614 = arith.constant 2 : i32
      %add3A_615 = arith.addi %add3A_543, %add3A_614 : i32
      %mul3A_616 = arith.constant 128 : i32
      %mul3A_617 = arith.muli %add3A_615, %mul3A_616 : i32
      %jit3A_618 = arith.constant 200 : i32
      %eq3A_619 = arith.constant 0 : i32
      %eq3A_620 = arith.cmpi eq, %jit3A_618, %eq3A_619 : i32
      %jit3A_621 = arith.constant 1 : i32
      %select_n3A_622 = arith.select %eq3A_620, %jit3A_621, %jit3A_618 : i32
      %rem3A_623 = arith.remsi %mul3A_617, %select_n3A_622 : i32
      %ne3A_624 = arith.constant 0 : i32
      %ne3A_625 = arith.cmpi ne, %rem3A_623, %ne3A_624 : i32
      %lt3A_626 = arith.constant 0 : i32
      %lt3A_627 = arith.cmpi slt, %rem3A_623, %lt3A_626 : i32
      %lt3A_628 = arith.constant 0 : i32
      %lt3A_629 = arith.cmpi slt, %select_n3A_622, %lt3A_628 : i32
      %ne3A_630 = arith.xori %lt3A_627, %lt3A_629 : i1
      %and3A_631 = arith.andi %ne3A_630, %ne3A_625 : i1
      %add3A_632 = arith.addi %rem3A_623, %select_n3A_622 : i32
      %select_n3A_633 = arith.select %and3A_631, %add3A_632, %rem3A_623 : i32
      %dma_start3A_634 = arith.constant 1 : i32
      %dma_start3A_635 = arith.constant 0 : i32
      %dma_start3A_636 = arith.constant 0 : i32
      %dma_start3A_637 = tpu.memref_slice %arg8[%dma_start3A_634, %dma_start3A_635, %dma_start3A_636] : memref<5x128x128xf32, #tpu.memory_space<vmem>> -> memref<1x128x128xf32, #tpu.memory_space<vmem>>
      %dma_start3A_638 = tpu.memref_squeeze %dma_start3A_637 : memref<1x128x128xf32, #tpu.memory_space<vmem>> -> memref<128x128xf32, #tpu.memory_space<vmem>>
      %dma_start3A_639 = arith.constant 0 : i32
      %dma_start3A_640 = tpu.memref_slice %arg7[%select_n3A_633, %dma_start3A_639] : memref<400x128xf32, #tpu.memory_space<vmem_shared>> -> memref<128x128xf32, #tpu.memory_space<vmem_shared>>
      %dma_start3A_641 = arith.constant 0 : i32
      %dma_start3A_642 = arith.constant 0 : i32
      %dma_start3A_643 = tpu.memref_slice %arg8[%dma_start3A_634, %dma_start3A_641, %dma_start3A_642] : memref<5x128x128xf32, #tpu.memory_space<vmem>> -> memref<1x128x128xf32, #tpu.memory_space<vmem>>
      %dma_start3A_644 = tpu.memref_squeeze %dma_start3A_643 : memref<1x128x128xf32, #tpu.memory_space<vmem>> -> memref<128x128xf32, #tpu.memory_space<vmem>>
      %dma_start3A_645 = arith.constant 0 : i32
      %dma_start3A_646 = tpu.memref_slice %arg7[%select_n3A_633, %dma_start3A_645] : memref<400x128xf32, #tpu.memory_space<vmem_shared>> -> memref<128x128xf32, #tpu.memory_space<vmem_shared>>
      tpu.enqueue_dma source(%dma_start3A_646 : memref<128x128xf32, #tpu.memory_space<vmem_shared>>) target(%dma_start3A_644 : memref<128x128xf32, #tpu.memory_space<vmem>>) target_semaphore(%arg10 : memref<!tpu.dma_semaphore, #tpu.memory_space<semaphore_mem>>)
      %add3A_647 = arith.constant 2 : i32
      %add3A_648 = arith.addi %add3A_442, %add3A_647 : i32
      %dma_wait3A_649 = arith.constant 1 : i32
      %dma_wait3A_650 = arith.constant 0 : i32
      %dma_wait3A_651 = arith.constant 0 : i32
      %dma_wait3A_652 = tpu.memref_slice %arg8[%dma_wait3A_649, %dma_wait3A_650, %dma_wait3A_651] : memref<5x128x128xf32, #tpu.memory_space<vmem>> -> memref<1x128x128xf32, #tpu.memory_space<vmem>>
      %dma_wait3A_653 = tpu.memref_squeeze %dma_wait3A_652 : memref<1x128x128xf32, #tpu.memory_space<vmem>> -> memref<128x128xf32, #tpu.memory_space<vmem>>
      %dma_wait3A_654 = arith.constant 0 : i32
      %dma_wait3A_655 = arith.constant 0 : i32
      %dma_wait3A_656 = tpu.memref_slice %arg7[%dma_wait3A_654, %dma_wait3A_655] : memref<400x128xf32, #tpu.memory_space<vmem_shared>> -> memref<128x128xf32, #tpu.memory_space<vmem_shared>>
      %dma_wait3A_657 = arith.constant 0 : i32
      %dma_wait3A_658 = arith.constant 0 : i32
      %dma_wait3A_659 = tpu.memref_slice %arg8[%dma_wait3A_649, %dma_wait3A_657, %dma_wait3A_658] : memref<5x128x128xf32, #tpu.memory_space<vmem>> -> memref<1x128x128xf32, #tpu.memory_space<vmem>>
      %dma_wait3A_660 = tpu.memref_squeeze %dma_wait3A_659 : memref<1x128x128xf32, #tpu.memory_space<vmem>> -> memref<128x128xf32, #tpu.memory_space<vmem>>
      %dma_wait3A_661 = arith.constant 0 : i32
      %dma_wait3A_662 = arith.constant 0 : i32
      %dma_wait3A_663 = tpu.memref_slice %arg7[%dma_wait3A_661, %dma_wait3A_662] : memref<400x128xf32, #tpu.memory_space<vmem_shared>> -> memref<128x128xf32, #tpu.memory_space<vmem_shared>>
      tpu.wait_dma2 semaphore(%arg10 : memref<!tpu.dma_semaphore, #tpu.memory_space<semaphore_mem>>) src(%dma_wait3A_663 : memref<128x128xf32, #tpu.memory_space<vmem_shared>>) dst(%dma_wait3A_660 : memref<128x128xf32, #tpu.memory_space<vmem>>)
      %add3A_664 = arith.constant 1 : i32
      %add3A_665 = arith.addi %add3A_648, %add3A_664 : i32
      %dma_start3A_666 = arith.constant 1 : i32
      %dma_start3A_667 = arith.constant 0 : i32
      %dma_start3A_668 = arith.constant 0 : i32
      %dma_start3A_669 = tpu.memref_slice %arg8[%dma_start3A_666, %dma_start3A_667, %dma_start3A_668] : memref<5x128x128xf32, #tpu.memory_space<vmem>> -> memref<1x128x128xf32, #tpu.memory_space<vmem>>
      %dma_start3A_670 = tpu.memref_squeeze %dma_start3A_669 : memref<1x128x128xf32, #tpu.memory_space<vmem>> -> memref<128x128xf32, #tpu.memory_space<vmem>>
      %dma_start3A_671 = arith.constant 0 : i32
      %dma_start3A_672 = tpu.memref_slice %arg6[%add3A_665, %dma_start3A_671] : memref<200x128xi32, #tpu.memory_space<vmem>> -> memref<1x128xi32, #tpu.memory_space<vmem>>
      %dma_start3A_673 = tpu.memref_squeeze %dma_start3A_672 : memref<1x128xi32, #tpu.memory_space<vmem>> -> memref<128xi32, #tpu.memory_space<vmem>>
      %dma_start3A_674 = arith.constant 0 : i32
      %dma_start3A_675 = arith.constant 0 : i32
      %dma_start3A_676 = tpu.memref_slice %arg3[%dma_start3A_674, %dma_start3A_675] : memref<100000x128xf32, #tpu.memory_space<hbm>> -> memref<100000x128xf32, #tpu.memory_space<hbm>>
      tpu.enqueue_indirect_dma source(%dma_start3A_676 : memref<100000x128xf32, #tpu.memory_space<hbm>>) target(%dma_start3A_670 : memref<128x128xf32, #tpu.memory_space<vmem>>) offsets(%dma_start3A_673 : memref<128xi32, #tpu.memory_space<vmem>>) semaphore(%arg15 : memref<!tpu.dma_semaphore, #tpu.memory_space<semaphore_mem>>) {add = true}
      %dma_wait3A_677 = arith.constant 0 : i32
      %dma_wait3A_678 = arith.constant 0 : i32
      %dma_wait3A_679 = arith.constant 0 : i32
      %dma_wait3A_680 = tpu.memref_slice %arg8[%dma_wait3A_677, %dma_wait3A_678, %dma_wait3A_679] : memref<5x128x128xf32, #tpu.memory_space<vmem>> -> memref<1x128x128xf32, #tpu.memory_space<vmem>>
      %dma_wait3A_681 = tpu.memref_squeeze %dma_wait3A_680 : memref<1x128x128xf32, #tpu.memory_space<vmem>> -> memref<128x128xf32, #tpu.memory_space<vmem>>
      %dma_wait3A_682 = arith.constant 0 : i32
      %dma_wait3A_683 = tpu.memref_slice %arg6[%add3A_648, %dma_wait3A_682] : memref<200x128xi32, #tpu.memory_space<vmem>> -> memref<1x128xi32, #tpu.memory_space<vmem>>
      %dma_wait3A_684 = tpu.memref_squeeze %dma_wait3A_683 : memref<1x128xi32, #tpu.memory_space<vmem>> -> memref<128xi32, #tpu.memory_space<vmem>>
      %dma_wait3A_685 = arith.constant 0 : i32
      %dma_wait3A_686 = arith.constant 0 : i32
      %dma_wait3A_687 = tpu.memref_slice %arg3[%dma_wait3A_685, %dma_wait3A_686] : memref<100000x128xf32, #tpu.memory_space<hbm>> -> memref<100000x128xf32, #tpu.memory_space<hbm>>
      tpu.wait_indirect_dma semaphore(%arg14 : memref<!tpu.dma_semaphore, #tpu.memory_space<semaphore_mem>>) src(%dma_wait3A_687 : memref<100000x128xf32, #tpu.memory_space<hbm>>) dst(%dma_wait3A_681 : memref<128x128xf32, #tpu.memory_space<vmem>>)
      %add3A_688 = arith.addi %mul3A_2, %add3A_648 : i32
      %mul3A_689 = arith.constant 128 : i32
      %mul3A_690 = arith.muli %add3A_688, %mul3A_689 : i32
      %dma_start3A_691 = arith.constant 0 : i32
      %dma_start3A_692 = arith.constant 0 : i32
      %dma_start3A_693 = arith.constant 0 : i32
      %dma_start3A_694 = tpu.memref_slice %arg8[%dma_start3A_691, %dma_start3A_692, %dma_start3A_693] : memref<5x128x128xf32, #tpu.memory_space<vmem>> -> memref<1x128x128xf32, #tpu.memory_space<vmem>>
      %dma_start3A_695 = tpu.memref_squeeze %dma_start3A_694 : memref<1x128x128xf32, #tpu.memory_space<vmem>> -> memref<128x128xf32, #tpu.memory_space<vmem>>
      %dma_start3A_696 = arith.constant 0 : i32
      %dma_start3A_697 = tpu.memref_slice %arg5[%mul3A_690, %dma_start3A_696] : memref<819200x128xf32, #tpu.memory_space<hbm>> -> memref<128x128xf32, #tpu.memory_space<hbm>>
      %dma_start3A_698 = arith.constant 0 : i32
      %dma_start3A_699 = tpu.memref_slice %arg5[%mul3A_690, %dma_start3A_698] : memref<819200x128xf32, #tpu.memory_space<hbm>> -> memref<128x128xf32, #tpu.memory_space<hbm>>
      %dma_start3A_700 = arith.constant 0 : i32
      %dma_start3A_701 = arith.constant 0 : i32
      %dma_start3A_702 = tpu.memref_slice %arg8[%dma_start3A_691, %dma_start3A_700, %dma_start3A_701] : memref<5x128x128xf32, #tpu.memory_space<vmem>> -> memref<1x128x128xf32, #tpu.memory_space<vmem>>
      %dma_start3A_703 = tpu.memref_squeeze %dma_start3A_702 : memref<1x128x128xf32, #tpu.memory_space<vmem>> -> memref<128x128xf32, #tpu.memory_space<vmem>>
      tpu.enqueue_dma source(%dma_start3A_703 : memref<128x128xf32, #tpu.memory_space<vmem>>) target(%dma_start3A_699 : memref<128x128xf32, #tpu.memory_space<hbm>>) target_semaphore(%arg19 : memref<!tpu.dma_semaphore, #tpu.memory_space<semaphore_mem>>)
      %dma_wait3A_704 = arith.constant 2 : i32
      %dma_wait3A_705 = arith.constant 0 : i32
      %dma_wait3A_706 = arith.constant 0 : i32
      %dma_wait3A_707 = tpu.memref_slice %arg8[%dma_wait3A_704, %dma_wait3A_705, %dma_wait3A_706] : memref<5x128x128xf32, #tpu.memory_space<vmem>> -> memref<1x128x128xf32, #tpu.memory_space<vmem>>
      %dma_wait3A_708 = tpu.memref_squeeze %dma_wait3A_707 : memref<1x128x128xf32, #tpu.memory_space<vmem>> -> memref<128x128xf32, #tpu.memory_space<vmem>>
      %dma_wait3A_709 = arith.constant 0 : i32
      %dma_wait3A_710 = arith.constant 0 : i32
      %dma_wait3A_711 = tpu.memref_slice %arg5[%dma_wait3A_709, %dma_wait3A_710] : memref<819200x128xf32, #tpu.memory_space<hbm>> -> memref<128x128xf32, #tpu.memory_space<hbm>>
      %dma_wait3A_712 = arith.constant 0 : i32
      %dma_wait3A_713 = arith.constant 0 : i32
      %dma_wait3A_714 = tpu.memref_slice %arg5[%dma_wait3A_712, %dma_wait3A_713] : memref<819200x128xf32, #tpu.memory_space<hbm>> -> memref<128x128xf32, #tpu.memory_space<hbm>>
      %dma_wait3A_715 = arith.constant 0 : i32
      %dma_wait3A_716 = arith.constant 0 : i32
      %dma_wait3A_717 = tpu.memref_slice %arg8[%dma_wait3A_704, %dma_wait3A_715, %dma_wait3A_716] : memref<5x128x128xf32, #tpu.memory_space<vmem>> -> memref<1x128x128xf32, #tpu.memory_space<vmem>>
      %dma_wait3A_718 = tpu.memref_squeeze %dma_wait3A_717 : memref<1x128x128xf32, #tpu.memory_space<vmem>> -> memref<128x128xf32, #tpu.memory_space<vmem>>
      tpu.wait_dma2 semaphore(%arg21 : memref<!tpu.dma_semaphore, #tpu.memory_space<semaphore_mem>>) src(%dma_wait3A_718 : memref<128x128xf32, #tpu.memory_space<vmem>>) dst(%dma_wait3A_714 : memref<128x128xf32, #tpu.memory_space<hbm>>)
      %add3A_719 = arith.constant 2 : i32
      %add3A_720 = arith.addi %add3A_648, %add3A_719 : i32
      %mul3A_721 = arith.constant 128 : i32
      %mul3A_722 = arith.muli %add3A_720, %mul3A_721 : i32
      %jit3A_723 = arith.constant 200 : i32
      %eq3A_724 = arith.constant 0 : i32
      %eq3A_725 = arith.cmpi eq, %jit3A_723, %eq3A_724 : i32
      %jit3A_726 = arith.constant 1 : i32
      %select_n3A_727 = arith.select %eq3A_725, %jit3A_726, %jit3A_723 : i32
      %rem3A_728 = arith.remsi %mul3A_722, %select_n3A_727 : i32
      %ne3A_729 = arith.constant 0 : i32
      %ne3A_730 = arith.cmpi ne, %rem3A_728, %ne3A_729 : i32
      %lt3A_731 = arith.constant 0 : i32
      %lt3A_732 = arith.cmpi slt, %rem3A_728, %lt3A_731 : i32
      %lt3A_733 = arith.constant 0 : i32
      %lt3A_734 = arith.cmpi slt, %select_n3A_727, %lt3A_733 : i32
      %ne3A_735 = arith.xori %lt3A_732, %lt3A_734 : i1
      %and3A_736 = arith.andi %ne3A_735, %ne3A_730 : i1
      %add3A_737 = arith.addi %rem3A_728, %select_n3A_727 : i32
      %select_n3A_738 = arith.select %and3A_736, %add3A_737, %rem3A_728 : i32
      %dma_start3A_739 = arith.constant 2 : i32
      %dma_start3A_740 = arith.constant 0 : i32
      %dma_start3A_741 = arith.constant 0 : i32
      %dma_start3A_742 = tpu.memref_slice %arg8[%dma_start3A_739, %dma_start3A_740, %dma_start3A_741] : memref<5x128x128xf32, #tpu.memory_space<vmem>> -> memref<1x128x128xf32, #tpu.memory_space<vmem>>
      %dma_start3A_743 = tpu.memref_squeeze %dma_start3A_742 : memref<1x128x128xf32, #tpu.memory_space<vmem>> -> memref<128x128xf32, #tpu.memory_space<vmem>>
      %dma_start3A_744 = arith.constant 0 : i32
      %dma_start3A_745 = tpu.memref_slice %arg7[%select_n3A_738, %dma_start3A_744] : memref<400x128xf32, #tpu.memory_space<vmem_shared>> -> memref<128x128xf32, #tpu.memory_space<vmem_shared>>
      %dma_start3A_746 = arith.constant 0 : i32
      %dma_start3A_747 = arith.constant 0 : i32
      %dma_start3A_748 = tpu.memref_slice %arg8[%dma_start3A_739, %dma_start3A_746, %dma_start3A_747] : memref<5x128x128xf32, #tpu.memory_space<vmem>> -> memref<1x128x128xf32, #tpu.memory_space<vmem>>
      %dma_start3A_749 = tpu.memref_squeeze %dma_start3A_748 : memref<1x128x128xf32, #tpu.memory_space<vmem>> -> memref<128x128xf32, #tpu.memory_space<vmem>>
      %dma_start3A_750 = arith.constant 0 : i32
      %dma_start3A_751 = tpu.memref_slice %arg7[%select_n3A_738, %dma_start3A_750] : memref<400x128xf32, #tpu.memory_space<vmem_shared>> -> memref<128x128xf32, #tpu.memory_space<vmem_shared>>
      tpu.enqueue_dma source(%dma_start3A_751 : memref<128x128xf32, #tpu.memory_space<vmem_shared>>) target(%dma_start3A_749 : memref<128x128xf32, #tpu.memory_space<vmem>>) target_semaphore(%arg11 : memref<!tpu.dma_semaphore, #tpu.memory_space<semaphore_mem>>)
      %add3A_752 = arith.constant 3 : i32
      %add3A_753 = arith.addi %add3A_442, %add3A_752 : i32
      %dma_wait3A_754 = arith.constant 2 : i32
      %dma_wait3A_755 = arith.constant 0 : i32
      %dma_wait3A_756 = arith.constant 0 : i32
      %dma_wait3A_757 = tpu.memref_slice %arg8[%dma_wait3A_754, %dma_wait3A_755, %dma_wait3A_756] : memref<5x128x128xf32, #tpu.memory_space<vmem>> -> memref<1x128x128xf32, #tpu.memory_space<vmem>>
      %dma_wait3A_758 = tpu.memref_squeeze %dma_wait3A_757 : memref<1x128x128xf32, #tpu.memory_space<vmem>> -> memref<128x128xf32, #tpu.memory_space<vmem>>
      %dma_wait3A_759 = arith.constant 0 : i32
      %dma_wait3A_760 = arith.constant 0 : i32
      %dma_wait3A_761 = tpu.memref_slice %arg7[%dma_wait3A_759, %dma_wait3A_760] : memref<400x128xf32, #tpu.memory_space<vmem_shared>> -> memref<128x128xf32, #tpu.memory_space<vmem_shared>>
      %dma_wait3A_762 = arith.constant 0 : i32
      %dma_wait3A_763 = arith.constant 0 : i32
      %dma_wait3A_764 = tpu.memref_slice %arg8[%dma_wait3A_754, %dma_wait3A_762, %dma_wait3A_763] : memref<5x128x128xf32, #tpu.memory_space<vmem>> -> memref<1x128x128xf32, #tpu.memory_space<vmem>>
      %dma_wait3A_765 = tpu.memref_squeeze %dma_wait3A_764 : memref<1x128x128xf32, #tpu.memory_space<vmem>> -> memref<128x128xf32, #tpu.memory_space<vmem>>
      %dma_wait3A_766 = arith.constant 0 : i32
      %dma_wait3A_767 = arith.constant 0 : i32
      %dma_wait3A_768 = tpu.memref_slice %arg7[%dma_wait3A_766, %dma_wait3A_767] : memref<400x128xf32, #tpu.memory_space<vmem_shared>> -> memref<128x128xf32, #tpu.memory_space<vmem_shared>>
      tpu.wait_dma2 semaphore(%arg11 : memref<!tpu.dma_semaphore, #tpu.memory_space<semaphore_mem>>) src(%dma_wait3A_768 : memref<128x128xf32, #tpu.memory_space<vmem_shared>>) dst(%dma_wait3A_765 : memref<128x128xf32, #tpu.memory_space<vmem>>)
      %add3A_769 = arith.constant 1 : i32
      %add3A_770 = arith.addi %add3A_753, %add3A_769 : i32
      %dma_start3A_771 = arith.constant 2 : i32
      %dma_start3A_772 = arith.constant 0 : i32
      %dma_start3A_773 = arith.constant 0 : i32
      %dma_start3A_774 = tpu.memref_slice %arg8[%dma_start3A_771, %dma_start3A_772, %dma_start3A_773] : memref<5x128x128xf32, #tpu.memory_space<vmem>> -> memref<1x128x128xf32, #tpu.memory_space<vmem>>
      %dma_start3A_775 = tpu.memref_squeeze %dma_start3A_774 : memref<1x128x128xf32, #tpu.memory_space<vmem>> -> memref<128x128xf32, #tpu.memory_space<vmem>>
      %dma_start3A_776 = arith.constant 0 : i32
      %dma_start3A_777 = tpu.memref_slice %arg6[%add3A_770, %dma_start3A_776] : memref<200x128xi32, #tpu.memory_space<vmem>> -> memref<1x128xi32, #tpu.memory_space<vmem>>
      %dma_start3A_778 = tpu.memref_squeeze %dma_start3A_777 : memref<1x128xi32, #tpu.memory_space<vmem>> -> memref<128xi32, #tpu.memory_space<vmem>>
      %dma_start3A_779 = arith.constant 0 : i32
      %dma_start3A_780 = arith.constant 0 : i32
      %dma_start3A_781 = tpu.memref_slice %arg3[%dma_start3A_779, %dma_start3A_780] : memref<100000x128xf32, #tpu.memory_space<hbm>> -> memref<100000x128xf32, #tpu.memory_space<hbm>>
      tpu.enqueue_indirect_dma source(%dma_start3A_781 : memref<100000x128xf32, #tpu.memory_space<hbm>>) target(%dma_start3A_775 : memref<128x128xf32, #tpu.memory_space<vmem>>) offsets(%dma_start3A_778 : memref<128xi32, #tpu.memory_space<vmem>>) semaphore(%arg16 : memref<!tpu.dma_semaphore, #tpu.memory_space<semaphore_mem>>) {add = true}
      %dma_wait3A_782 = arith.constant 1 : i32
      %dma_wait3A_783 = arith.constant 0 : i32
      %dma_wait3A_784 = arith.constant 0 : i32
      %dma_wait3A_785 = tpu.memref_slice %arg8[%dma_wait3A_782, %dma_wait3A_783, %dma_wait3A_784] : memref<5x128x128xf32, #tpu.memory_space<vmem>> -> memref<1x128x128xf32, #tpu.memory_space<vmem>>
      %dma_wait3A_786 = tpu.memref_squeeze %dma_wait3A_785 : memref<1x128x128xf32, #tpu.memory_space<vmem>> -> memref<128x128xf32, #tpu.memory_space<vmem>>
      %dma_wait3A_787 = arith.constant 0 : i32
      %dma_wait3A_788 = tpu.memref_slice %arg6[%add3A_753, %dma_wait3A_787] : memref<200x128xi32, #tpu.memory_space<vmem>> -> memref<1x128xi32, #tpu.memory_space<vmem>>
      %dma_wait3A_789 = tpu.memref_squeeze %dma_wait3A_788 : memref<1x128xi32, #tpu.memory_space<vmem>> -> memref<128xi32, #tpu.memory_space<vmem>>
      %dma_wait3A_790 = arith.constant 0 : i32
      %dma_wait3A_791 = arith.constant 0 : i32
      %dma_wait3A_792 = tpu.memref_slice %arg3[%dma_wait3A_790, %dma_wait3A_791] : memref<100000x128xf32, #tpu.memory_space<hbm>> -> memref<100000x128xf32, #tpu.memory_space<hbm>>
      tpu.wait_indirect_dma semaphore(%arg15 : memref<!tpu.dma_semaphore, #tpu.memory_space<semaphore_mem>>) src(%dma_wait3A_792 : memref<100000x128xf32, #tpu.memory_space<hbm>>) dst(%dma_wait3A_786 : memref<128x128xf32, #tpu.memory_space<vmem>>)
      %add3A_793 = arith.addi %mul3A_2, %add3A_753 : i32
      %mul3A_794 = arith.constant 128 : i32
      %mul3A_795 = arith.muli %add3A_793, %mul3A_794 : i32
      %dma_start3A_796 = arith.constant 1 : i32
      %dma_start3A_797 = arith.constant 0 : i32
      %dma_start3A_798 = arith.constant 0 : i32
      %dma_start3A_799 = tpu.memref_slice %arg8[%dma_start3A_796, %dma_start3A_797, %dma_start3A_798] : memref<5x128x128xf32, #tpu.memory_space<vmem>> -> memref<1x128x128xf32, #tpu.memory_space<vmem>>
      %dma_start3A_800 = tpu.memref_squeeze %dma_start3A_799 : memref<1x128x128xf32, #tpu.memory_space<vmem>> -> memref<128x128xf32, #tpu.memory_space<vmem>>
      %dma_start3A_801 = arith.constant 0 : i32
      %dma_start3A_802 = tpu.memref_slice %arg5[%mul3A_795, %dma_start3A_801] : memref<819200x128xf32, #tpu.memory_space<hbm>> -> memref<128x128xf32, #tpu.memory_space<hbm>>
      %dma_start3A_803 = arith.constant 0 : i32
      %dma_start3A_804 = tpu.memref_slice %arg5[%mul3A_795, %dma_start3A_803] : memref<819200x128xf32, #tpu.memory_space<hbm>> -> memref<128x128xf32, #tpu.memory_space<hbm>>
      %dma_start3A_805 = arith.constant 0 : i32
      %dma_start3A_806 = arith.constant 0 : i32
      %dma_start3A_807 = tpu.memref_slice %arg8[%dma_start3A_796, %dma_start3A_805, %dma_start3A_806] : memref<5x128x128xf32, #tpu.memory_space<vmem>> -> memref<1x128x128xf32, #tpu.memory_space<vmem>>
      %dma_start3A_808 = tpu.memref_squeeze %dma_start3A_807 : memref<1x128x128xf32, #tpu.memory_space<vmem>> -> memref<128x128xf32, #tpu.memory_space<vmem>>
      tpu.enqueue_dma source(%dma_start3A_808 : memref<128x128xf32, #tpu.memory_space<vmem>>) target(%dma_start3A_804 : memref<128x128xf32, #tpu.memory_space<hbm>>) target_semaphore(%arg20 : memref<!tpu.dma_semaphore, #tpu.memory_space<semaphore_mem>>)
      %dma_wait3A_809 = arith.constant 3 : i32
      %dma_wait3A_810 = arith.constant 0 : i32
      %dma_wait3A_811 = arith.constant 0 : i32
      %dma_wait3A_812 = tpu.memref_slice %arg8[%dma_wait3A_809, %dma_wait3A_810, %dma_wait3A_811] : memref<5x128x128xf32, #tpu.memory_space<vmem>> -> memref<1x128x128xf32, #tpu.memory_space<vmem>>
      %dma_wait3A_813 = tpu.memref_squeeze %dma_wait3A_812 : memref<1x128x128xf32, #tpu.memory_space<vmem>> -> memref<128x128xf32, #tpu.memory_space<vmem>>
      %dma_wait3A_814 = arith.constant 0 : i32
      %dma_wait3A_815 = arith.constant 0 : i32
      %dma_wait3A_816 = tpu.memref_slice %arg5[%dma_wait3A_814, %dma_wait3A_815] : memref<819200x128xf32, #tpu.memory_space<hbm>> -> memref<128x128xf32, #tpu.memory_space<hbm>>
      %dma_wait3A_817 = arith.constant 0 : i32
      %dma_wait3A_818 = arith.constant 0 : i32
      %dma_wait3A_819 = tpu.memref_slice %arg5[%dma_wait3A_817, %dma_wait3A_818] : memref<819200x128xf32, #tpu.memory_space<hbm>> -> memref<128x128xf32, #tpu.memory_space<hbm>>
      %dma_wait3A_820 = arith.constant 0 : i32
      %dma_wait3A_821 = arith.constant 0 : i32
      %dma_wait3A_822 = tpu.memref_slice %arg8[%dma_wait3A_809, %dma_wait3A_820, %dma_wait3A_821] : memref<5x128x128xf32, #tpu.memory_space<vmem>> -> memref<1x128x128xf32, #tpu.memory_space<vmem>>
      %dma_wait3A_823 = tpu.memref_squeeze %dma_wait3A_822 : memref<1x128x128xf32, #tpu.memory_space<vmem>> -> memref<128x128xf32, #tpu.memory_space<vmem>>
      tpu.wait_dma2 semaphore(%arg22 : memref<!tpu.dma_semaphore, #tpu.memory_space<semaphore_mem>>) src(%dma_wait3A_823 : memref<128x128xf32, #tpu.memory_space<vmem>>) dst(%dma_wait3A_819 : memref<128x128xf32, #tpu.memory_space<hbm>>)
      %add3A_824 = arith.constant 2 : i32
      %add3A_825 = arith.addi %add3A_753, %add3A_824 : i32
      %mul3A_826 = arith.constant 128 : i32
      %mul3A_827 = arith.muli %add3A_825, %mul3A_826 : i32
      %jit3A_828 = arith.constant 200 : i32
      %eq3A_829 = arith.constant 0 : i32
      %eq3A_830 = arith.cmpi eq, %jit3A_828, %eq3A_829 : i32
      %jit3A_831 = arith.constant 1 : i32
      %select_n3A_832 = arith.select %eq3A_830, %jit3A_831, %jit3A_828 : i32
      %rem3A_833 = arith.remsi %mul3A_827, %select_n3A_832 : i32
      %ne3A_834 = arith.constant 0 : i32
      %ne3A_835 = arith.cmpi ne, %rem3A_833, %ne3A_834 : i32
      %lt3A_836 = arith.constant 0 : i32
      %lt3A_837 = arith.cmpi slt, %rem3A_833, %lt3A_836 : i32
      %lt3A_838 = arith.constant 0 : i32
      %lt3A_839 = arith.cmpi slt, %select_n3A_832, %lt3A_838 : i32
      %ne3A_840 = arith.xori %lt3A_837, %lt3A_839 : i1
      %and3A_841 = arith.andi %ne3A_840, %ne3A_835 : i1
      %add3A_842 = arith.addi %rem3A_833, %select_n3A_832 : i32
      %select_n3A_843 = arith.select %and3A_841, %add3A_842, %rem3A_833 : i32
      %dma_start3A_844 = arith.constant 3 : i32
      %dma_start3A_845 = arith.constant 0 : i32
      %dma_start3A_846 = arith.constant 0 : i32
      %dma_start3A_847 = tpu.memref_slice %arg8[%dma_start3A_844, %dma_start3A_845, %dma_start3A_846] : memref<5x128x128xf32, #tpu.memory_space<vmem>> -> memref<1x128x128xf32, #tpu.memory_space<vmem>>
      %dma_start3A_848 = tpu.memref_squeeze %dma_start3A_847 : memref<1x128x128xf32, #tpu.memory_space<vmem>> -> memref<128x128xf32, #tpu.memory_space<vmem>>
      %dma_start3A_849 = arith.constant 0 : i32
      %dma_start3A_850 = tpu.memref_slice %arg7[%select_n3A_843, %dma_start3A_849] : memref<400x128xf32, #tpu.memory_space<vmem_shared>> -> memref<128x128xf32, #tpu.memory_space<vmem_shared>>
      %dma_start3A_851 = arith.constant 0 : i32
      %dma_start3A_852 = arith.constant 0 : i32
      %dma_start3A_853 = tpu.memref_slice %arg8[%dma_start3A_844, %dma_start3A_851, %dma_start3A_852] : memref<5x128x128xf32, #tpu.memory_space<vmem>> -> memref<1x128x128xf32, #tpu.memory_space<vmem>>
      %dma_start3A_854 = tpu.memref_squeeze %dma_start3A_853 : memref<1x128x128xf32, #tpu.memory_space<vmem>> -> memref<128x128xf32, #tpu.memory_space<vmem>>
      %dma_start3A_855 = arith.constant 0 : i32
      %dma_start3A_856 = tpu.memref_slice %arg7[%select_n3A_843, %dma_start3A_855] : memref<400x128xf32, #tpu.memory_space<vmem_shared>> -> memref<128x128xf32, #tpu.memory_space<vmem_shared>>
      tpu.enqueue_dma source(%dma_start3A_856 : memref<128x128xf32, #tpu.memory_space<vmem_shared>>) target(%dma_start3A_854 : memref<128x128xf32, #tpu.memory_space<vmem>>) target_semaphore(%arg12 : memref<!tpu.dma_semaphore, #tpu.memory_space<semaphore_mem>>)
      %add3A_857 = arith.constant 4 : i32
      %add3A_858 = arith.addi %add3A_442, %add3A_857 : i32
      %dma_wait3A_859 = arith.constant 3 : i32
      %dma_wait3A_860 = arith.constant 0 : i32
      %dma_wait3A_861 = arith.constant 0 : i32
      %dma_wait3A_862 = tpu.memref_slice %arg8[%dma_wait3A_859, %dma_wait3A_860, %dma_wait3A_861] : memref<5x128x128xf32, #tpu.memory_space<vmem>> -> memref<1x128x128xf32, #tpu.memory_space<vmem>>
      %dma_wait3A_863 = tpu.memref_squeeze %dma_wait3A_862 : memref<1x128x128xf32, #tpu.memory_space<vmem>> -> memref<128x128xf32, #tpu.memory_space<vmem>>
      %dma_wait3A_864 = arith.constant 0 : i32
      %dma_wait3A_865 = arith.constant 0 : i32
      %dma_wait3A_866 = tpu.memref_slice %arg7[%dma_wait3A_864, %dma_wait3A_865] : memref<400x128xf32, #tpu.memory_space<vmem_shared>> -> memref<128x128xf32, #tpu.memory_space<vmem_shared>>
      %dma_wait3A_867 = arith.constant 0 : i32
      %dma_wait3A_868 = arith.constant 0 : i32
      %dma_wait3A_869 = tpu.memref_slice %arg8[%dma_wait3A_859, %dma_wait3A_867, %dma_wait3A_868] : memref<5x128x128xf32, #tpu.memory_space<vmem>> -> memref<1x128x128xf32, #tpu.memory_space<vmem>>
      %dma_wait3A_870 = tpu.memref_squeeze %dma_wait3A_869 : memref<1x128x128xf32, #tpu.memory_space<vmem>> -> memref<128x128xf32, #tpu.memory_space<vmem>>
      %dma_wait3A_871 = arith.constant 0 : i32
      %dma_wait3A_872 = arith.constant 0 : i32
      %dma_wait3A_873 = tpu.memref_slice %arg7[%dma_wait3A_871, %dma_wait3A_872] : memref<400x128xf32, #tpu.memory_space<vmem_shared>> -> memref<128x128xf32, #tpu.memory_space<vmem_shared>>
      tpu.wait_dma2 semaphore(%arg12 : memref<!tpu.dma_semaphore, #tpu.memory_space<semaphore_mem>>) src(%dma_wait3A_873 : memref<128x128xf32, #tpu.memory_space<vmem_shared>>) dst(%dma_wait3A_870 : memref<128x128xf32, #tpu.memory_space<vmem>>)
      %add3A_874 = arith.constant 1 : i32
      %add3A_875 = arith.addi %add3A_858, %add3A_874 : i32
      %dma_start3A_876 = arith.constant 3 : i32
      %dma_start3A_877 = arith.constant 0 : i32
      %dma_start3A_878 = arith.constant 0 : i32
      %dma_start3A_879 = tpu.memref_slice %arg8[%dma_start3A_876, %dma_start3A_877, %dma_start3A_878] : memref<5x128x128xf32, #tpu.memory_space<vmem>> -> memref<1x128x128xf32, #tpu.memory_space<vmem>>
      %dma_start3A_880 = tpu.memref_squeeze %dma_start3A_879 : memref<1x128x128xf32, #tpu.memory_space<vmem>> -> memref<128x128xf32, #tpu.memory_space<vmem>>
      %dma_start3A_881 = arith.constant 0 : i32
      %dma_start3A_882 = tpu.memref_slice %arg6[%add3A_875, %dma_start3A_881] : memref<200x128xi32, #tpu.memory_space<vmem>> -> memref<1x128xi32, #tpu.memory_space<vmem>>
      %dma_start3A_883 = tpu.memref_squeeze %dma_start3A_882 : memref<1x128xi32, #tpu.memory_space<vmem>> -> memref<128xi32, #tpu.memory_space<vmem>>
      %dma_start3A_884 = arith.constant 0 : i32
      %dma_start3A_885 = arith.constant 0 : i32
      %dma_start3A_886 = tpu.memref_slice %arg3[%dma_start3A_884, %dma_start3A_885] : memref<100000x128xf32, #tpu.memory_space<hbm>> -> memref<100000x128xf32, #tpu.memory_space<hbm>>
      tpu.enqueue_indirect_dma source(%dma_start3A_886 : memref<100000x128xf32, #tpu.memory_space<hbm>>) target(%dma_start3A_880 : memref<128x128xf32, #tpu.memory_space<vmem>>) offsets(%dma_start3A_883 : memref<128xi32, #tpu.memory_space<vmem>>) semaphore(%arg17 : memref<!tpu.dma_semaphore, #tpu.memory_space<semaphore_mem>>) {add = true}
      %dma_wait3A_887 = arith.constant 2 : i32
      %dma_wait3A_888 = arith.constant 0 : i32
      %dma_wait3A_889 = arith.constant 0 : i32
      %dma_wait3A_890 = tpu.memref_slice %arg8[%dma_wait3A_887, %dma_wait3A_888, %dma_wait3A_889] : memref<5x128x128xf32, #tpu.memory_space<vmem>> -> memref<1x128x128xf32, #tpu.memory_space<vmem>>
      %dma_wait3A_891 = tpu.memref_squeeze %dma_wait3A_890 : memref<1x128x128xf32, #tpu.memory_space<vmem>> -> memref<128x128xf32, #tpu.memory_space<vmem>>
      %dma_wait3A_892 = arith.constant 0 : i32
      %dma_wait3A_893 = tpu.memref_slice %arg6[%add3A_858, %dma_wait3A_892] : memref<200x128xi32, #tpu.memory_space<vmem>> -> memref<1x128xi32, #tpu.memory_space<vmem>>
      %dma_wait3A_894 = tpu.memref_squeeze %dma_wait3A_893 : memref<1x128xi32, #tpu.memory_space<vmem>> -> memref<128xi32, #tpu.memory_space<vmem>>
      %dma_wait3A_895 = arith.constant 0 : i32
      %dma_wait3A_896 = arith.constant 0 : i32
      %dma_wait3A_897 = tpu.memref_slice %arg3[%dma_wait3A_895, %dma_wait3A_896] : memref<100000x128xf32, #tpu.memory_space<hbm>> -> memref<100000x128xf32, #tpu.memory_space<hbm>>
      tpu.wait_indirect_dma semaphore(%arg16 : memref<!tpu.dma_semaphore, #tpu.memory_space<semaphore_mem>>) src(%dma_wait3A_897 : memref<100000x128xf32, #tpu.memory_space<hbm>>) dst(%dma_wait3A_891 : memref<128x128xf32, #tpu.memory_space<vmem>>)
      %add3A_898 = arith.addi %mul3A_2, %add3A_858 : i32
      %mul3A_899 = arith.constant 128 : i32
      %mul3A_900 = arith.muli %add3A_898, %mul3A_899 : i32
      %dma_start3A_901 = arith.constant 2 : i32
      %dma_start3A_902 = arith.constant 0 : i32
      %dma_start3A_903 = arith.constant 0 : i32
      %dma_start3A_904 = tpu.memref_slice %arg8[%dma_start3A_901, %dma_start3A_902, %dma_start3A_903] : memref<5x128x128xf32, #tpu.memory_space<vmem>> -> memref<1x128x128xf32, #tpu.memory_space<vmem>>
      %dma_start3A_905 = tpu.memref_squeeze %dma_start3A_904 : memref<1x128x128xf32, #tpu.memory_space<vmem>> -> memref<128x128xf32, #tpu.memory_space<vmem>>
      %dma_start3A_906 = arith.constant 0 : i32
      %dma_start3A_907 = tpu.memref_slice %arg5[%mul3A_900, %dma_start3A_906] : memref<819200x128xf32, #tpu.memory_space<hbm>> -> memref<128x128xf32, #tpu.memory_space<hbm>>
      %dma_start3A_908 = arith.constant 0 : i32
      %dma_start3A_909 = tpu.memref_slice %arg5[%mul3A_900, %dma_start3A_908] : memref<819200x128xf32, #tpu.memory_space<hbm>> -> memref<128x128xf32, #tpu.memory_space<hbm>>
      %dma_start3A_910 = arith.constant 0 : i32
      %dma_start3A_911 = arith.constant 0 : i32
      %dma_start3A_912 = tpu.memref_slice %arg8[%dma_start3A_901, %dma_start3A_910, %dma_start3A_911] : memref<5x128x128xf32, #tpu.memory_space<vmem>> -> memref<1x128x128xf32, #tpu.memory_space<vmem>>
      %dma_start3A_913 = tpu.memref_squeeze %dma_start3A_912 : memref<1x128x128xf32, #tpu.memory_space<vmem>> -> memref<128x128xf32, #tpu.memory_space<vmem>>
      tpu.enqueue_dma source(%dma_start3A_913 : memref<128x128xf32, #tpu.memory_space<vmem>>) target(%dma_start3A_909 : memref<128x128xf32, #tpu.memory_space<hbm>>) target_semaphore(%arg21 : memref<!tpu.dma_semaphore, #tpu.memory_space<semaphore_mem>>)
      %dma_wait3A_914 = arith.constant 4 : i32
      %dma_wait3A_915 = arith.constant 0 : i32
      %dma_wait3A_916 = arith.constant 0 : i32
      %dma_wait3A_917 = tpu.memref_slice %arg8[%dma_wait3A_914, %dma_wait3A_915, %dma_wait3A_916] : memref<5x128x128xf32, #tpu.memory_space<vmem>> -> memref<1x128x128xf32, #tpu.memory_space<vmem>>
      %dma_wait3A_918 = tpu.memref_squeeze %dma_wait3A_917 : memref<1x128x128xf32, #tpu.memory_space<vmem>> -> memref<128x128xf32, #tpu.memory_space<vmem>>
      %dma_wait3A_919 = arith.constant 0 : i32
      %dma_wait3A_920 = arith.constant 0 : i32
      %dma_wait3A_921 = tpu.memref_slice %arg5[%dma_wait3A_919, %dma_wait3A_920] : memref<819200x128xf32, #tpu.memory_space<hbm>> -> memref<128x128xf32, #tpu.memory_space<hbm>>
      %dma_wait3A_922 = arith.constant 0 : i32
      %dma_wait3A_923 = arith.constant 0 : i32
      %dma_wait3A_924 = tpu.memref_slice %arg5[%dma_wait3A_922, %dma_wait3A_923] : memref<819200x128xf32, #tpu.memory_space<hbm>> -> memref<128x128xf32, #tpu.memory_space<hbm>>
      %dma_wait3A_925 = arith.constant 0 : i32
      %dma_wait3A_926 = arith.constant 0 : i32
      %dma_wait3A_927 = tpu.memref_slice %arg8[%dma_wait3A_914, %dma_wait3A_925, %dma_wait3A_926] : memref<5x128x128xf32, #tpu.memory_space<vmem>> -> memref<1x128x128xf32, #tpu.memory_space<vmem>>
      %dma_wait3A_928 = tpu.memref_squeeze %dma_wait3A_927 : memref<1x128x128xf32, #tpu.memory_space<vmem>> -> memref<128x128xf32, #tpu.memory_space<vmem>>
      tpu.wait_dma2 semaphore(%arg23 : memref<!tpu.dma_semaphore, #tpu.memory_space<semaphore_mem>>) src(%dma_wait3A_928 : memref<128x128xf32, #tpu.memory_space<vmem>>) dst(%dma_wait3A_924 : memref<128x128xf32, #tpu.memory_space<hbm>>)
      %add3A_929 = arith.constant 2 : i32
      %add3A_930 = arith.addi %add3A_858, %add3A_929 : i32
      %mul3A_931 = arith.constant 128 : i32
      %mul3A_932 = arith.muli %add3A_930, %mul3A_931 : i32
      %jit3A_933 = arith.constant 200 : i32
      %eq3A_934 = arith.constant 0 : i32
      %eq3A_935 = arith.cmpi eq, %jit3A_933, %eq3A_934 : i32
      %jit3A_936 = arith.constant 1 : i32
      %select_n3A_937 = arith.select %eq3A_935, %jit3A_936, %jit3A_933 : i32
      %rem3A_938 = arith.remsi %mul3A_932, %select_n3A_937 : i32
      %ne3A_939 = arith.constant 0 : i32
      %ne3A_940 = arith.cmpi ne, %rem3A_938, %ne3A_939 : i32
      %lt3A_941 = arith.constant 0 : i32
      %lt3A_942 = arith.cmpi slt, %rem3A_938, %lt3A_941 : i32
      %lt3A_943 = arith.constant 0 : i32
      %lt3A_944 = arith.cmpi slt, %select_n3A_937, %lt3A_943 : i32
      %ne3A_945 = arith.xori %lt3A_942, %lt3A_944 : i1
      %and3A_946 = arith.andi %ne3A_945, %ne3A_940 : i1
      %add3A_947 = arith.addi %rem3A_938, %select_n3A_937 : i32
      %select_n3A_948 = arith.select %and3A_946, %add3A_947, %rem3A_938 : i32
      %dma_start3A_949 = arith.constant 4 : i32
      %dma_start3A_950 = arith.constant 0 : i32
      %dma_start3A_951 = arith.constant 0 : i32
      %dma_start3A_952 = tpu.memref_slice %arg8[%dma_start3A_949, %dma_start3A_950, %dma_start3A_951] : memref<5x128x128xf32, #tpu.memory_space<vmem>> -> memref<1x128x128xf32, #tpu.memory_space<vmem>>
      %dma_start3A_953 = tpu.memref_squeeze %dma_start3A_952 : memref<1x128x128xf32, #tpu.memory_space<vmem>> -> memref<128x128xf32, #tpu.memory_space<vmem>>
      %dma_start3A_954 = arith.constant 0 : i32
      %dma_start3A_955 = tpu.memref_slice %arg7[%select_n3A_948, %dma_start3A_954] : memref<400x128xf32, #tpu.memory_space<vmem_shared>> -> memref<128x128xf32, #tpu.memory_space<vmem_shared>>
      %dma_start3A_956 = arith.constant 0 : i32
      %dma_start3A_957 = arith.constant 0 : i32
      %dma_start3A_958 = tpu.memref_slice %arg8[%dma_start3A_949, %dma_start3A_956, %dma_start3A_957] : memref<5x128x128xf32, #tpu.memory_space<vmem>> -> memref<1x128x128xf32, #tpu.memory_space<vmem>>
      %dma_start3A_959 = tpu.memref_squeeze %dma_start3A_958 : memref<1x128x128xf32, #tpu.memory_space<vmem>> -> memref<128x128xf32, #tpu.memory_space<vmem>>
      %dma_start3A_960 = arith.constant 0 : i32
      %dma_start3A_961 = tpu.memref_slice %arg7[%select_n3A_948, %dma_start3A_960] : memref<400x128xf32, #tpu.memory_space<vmem_shared>> -> memref<128x128xf32, #tpu.memory_space<vmem_shared>>
      tpu.enqueue_dma source(%dma_start3A_961 : memref<128x128xf32, #tpu.memory_space<vmem_shared>>) target(%dma_start3A_959 : memref<128x128xf32, #tpu.memory_space<vmem>>) target_semaphore(%arg13 : memref<!tpu.dma_semaphore, #tpu.memory_space<semaphore_mem>>)
    }
    %scan3A_277 = arith.constant 39 : i32
    %dma_wait3A_278 = arith.constant 4 : i32
    %dma_wait3A_279 = arith.constant 0 : i32
    %dma_wait3A_280 = arith.constant 0 : i32
    %dma_wait3A_281 = tpu.memref_slice %arg8[%dma_wait3A_278, %dma_wait3A_279, %dma_wait3A_280] : memref<5x128x128xf32, #tpu.memory_space<vmem>> -> memref<1x128x128xf32, #tpu.memory_space<vmem>>
    %dma_wait3A_282 = tpu.memref_squeeze %dma_wait3A_281 : memref<1x128x128xf32, #tpu.memory_space<vmem>> -> memref<128x128xf32, #tpu.memory_space<vmem>>
    %dma_wait3A_283 = arith.constant 0 : i32
    %dma_wait3A_284 = arith.constant 0 : i32
    %dma_wait3A_285 = tpu.memref_slice %arg7[%dma_wait3A_283, %dma_wait3A_284] : memref<400x128xf32, #tpu.memory_space<vmem_shared>> -> memref<128x128xf32, #tpu.memory_space<vmem_shared>>
    %dma_wait3A_286 = arith.constant 0 : i32
    %dma_wait3A_287 = arith.constant 0 : i32
    %dma_wait3A_288 = tpu.memref_slice %arg8[%dma_wait3A_278, %dma_wait3A_286, %dma_wait3A_287] : memref<5x128x128xf32, #tpu.memory_space<vmem>> -> memref<1x128x128xf32, #tpu.memory_space<vmem>>
    %dma_wait3A_289 = tpu.memref_squeeze %dma_wait3A_288 : memref<1x128x128xf32, #tpu.memory_space<vmem>> -> memref<128x128xf32, #tpu.memory_space<vmem>>
    %dma_wait3A_290 = arith.constant 0 : i32
    %dma_wait3A_291 = arith.constant 0 : i32
    %dma_wait3A_292 = tpu.memref_slice %arg7[%dma_wait3A_290, %dma_wait3A_291] : memref<400x128xf32, #tpu.memory_space<vmem_shared>> -> memref<128x128xf32, #tpu.memory_space<vmem_shared>>
    tpu.wait_dma2 semaphore(%arg13 : memref<!tpu.dma_semaphore, #tpu.memory_space<semaphore_mem>>) src(%dma_wait3A_292 : memref<128x128xf32, #tpu.memory_space<vmem_shared>>) dst(%dma_wait3A_289 : memref<128x128xf32, #tpu.memory_space<vmem>>)
    %dma_start3A_293 = arith.constant 199 : i32
    %dma_start3A_294 = arith.constant 4 : i32
    %dma_start3A_295 = arith.constant 0 : i32
    %dma_start3A_296 = arith.constant 0 : i32
    %dma_start3A_297 = tpu.memref_slice %arg8[%dma_start3A_294, %dma_start3A_295, %dma_start3A_296] : memref<5x128x128xf32, #tpu.memory_space<vmem>> -> memref<1x128x128xf32, #tpu.memory_space<vmem>>
    %dma_start3A_298 = tpu.memref_squeeze %dma_start3A_297 : memref<1x128x128xf32, #tpu.memory_space<vmem>> -> memref<128x128xf32, #tpu.memory_space<vmem>>
    %dma_start3A_299 = arith.constant 0 : i32
    %dma_start3A_300 = tpu.memref_slice %arg6[%dma_start3A_293, %dma_start3A_299] : memref<200x128xi32, #tpu.memory_space<vmem>> -> memref<1x128xi32, #tpu.memory_space<vmem>>
    %dma_start3A_301 = tpu.memref_squeeze %dma_start3A_300 : memref<1x128xi32, #tpu.memory_space<vmem>> -> memref<128xi32, #tpu.memory_space<vmem>>
    %dma_start3A_302 = arith.constant 0 : i32
    %dma_start3A_303 = arith.constant 0 : i32
    %dma_start3A_304 = tpu.memref_slice %arg3[%dma_start3A_302, %dma_start3A_303] : memref<100000x128xf32, #tpu.memory_space<hbm>> -> memref<100000x128xf32, #tpu.memory_space<hbm>>
    tpu.enqueue_indirect_dma source(%dma_start3A_304 : memref<100000x128xf32, #tpu.memory_space<hbm>>) target(%dma_start3A_298 : memref<128x128xf32, #tpu.memory_space<vmem>>) offsets(%dma_start3A_301 : memref<128xi32, #tpu.memory_space<vmem>>) semaphore(%arg18 : memref<!tpu.dma_semaphore, #tpu.memory_space<semaphore_mem>>) {add = true}
    %dma_wait3A_305 = arith.constant 198 : i32
    %dma_wait3A_306 = arith.constant 3 : i32
    %dma_wait3A_307 = arith.constant 0 : i32
    %dma_wait3A_308 = arith.constant 0 : i32
    %dma_wait3A_309 = tpu.memref_slice %arg8[%dma_wait3A_306, %dma_wait3A_307, %dma_wait3A_308] : memref<5x128x128xf32, #tpu.memory_space<vmem>> -> memref<1x128x128xf32, #tpu.memory_space<vmem>>
    %dma_wait3A_310 = tpu.memref_squeeze %dma_wait3A_309 : memref<1x128x128xf32, #tpu.memory_space<vmem>> -> memref<128x128xf32, #tpu.memory_space<vmem>>
    %dma_wait3A_311 = arith.constant 0 : i32
    %dma_wait3A_312 = tpu.memref_slice %arg6[%dma_wait3A_305, %dma_wait3A_311] : memref<200x128xi32, #tpu.memory_space<vmem>> -> memref<1x128xi32, #tpu.memory_space<vmem>>
    %dma_wait3A_313 = tpu.memref_squeeze %dma_wait3A_312 : memref<1x128xi32, #tpu.memory_space<vmem>> -> memref<128xi32, #tpu.memory_space<vmem>>
    %dma_wait3A_314 = arith.constant 0 : i32
    %dma_wait3A_315 = arith.constant 0 : i32
    %dma_wait3A_316 = tpu.memref_slice %arg3[%dma_wait3A_314, %dma_wait3A_315] : memref<100000x128xf32, #tpu.memory_space<hbm>> -> memref<100000x128xf32, #tpu.memory_space<hbm>>
    tpu.wait_indirect_dma semaphore(%arg17 : memref<!tpu.dma_semaphore, #tpu.memory_space<semaphore_mem>>) src(%dma_wait3A_316 : memref<100000x128xf32, #tpu.memory_space<hbm>>) dst(%dma_wait3A_310 : memref<128x128xf32, #tpu.memory_space<vmem>>)
    %add3A_317 = arith.constant 198 : i32
    %add3A_318 = arith.addi %mul3A_2, %add3A_317 : i32
    %mul3A_319 = arith.constant 128 : i32
    %mul3A_320 = arith.muli %add3A_318, %mul3A_319 : i32
    %dma_start3A_321 = arith.constant 3 : i32
    %dma_start3A_322 = arith.constant 0 : i32
    %dma_start3A_323 = arith.constant 0 : i32
    %dma_start3A_324 = tpu.memref_slice %arg8[%dma_start3A_321, %dma_start3A_322, %dma_start3A_323] : memref<5x128x128xf32, #tpu.memory_space<vmem>> -> memref<1x128x128xf32, #tpu.memory_space<vmem>>
    %dma_start3A_325 = tpu.memref_squeeze %dma_start3A_324 : memref<1x128x128xf32, #tpu.memory_space<vmem>> -> memref<128x128xf32, #tpu.memory_space<vmem>>
    %dma_start3A_326 = arith.constant 0 : i32
    %dma_start3A_327 = tpu.memref_slice %arg5[%mul3A_320, %dma_start3A_326] : memref<819200x128xf32, #tpu.memory_space<hbm>> -> memref<128x128xf32, #tpu.memory_space<hbm>>
    %dma_start3A_328 = arith.constant 0 : i32
    %dma_start3A_329 = tpu.memref_slice %arg5[%mul3A_320, %dma_start3A_328] : memref<819200x128xf32, #tpu.memory_space<hbm>> -> memref<128x128xf32, #tpu.memory_space<hbm>>
    %dma_start3A_330 = arith.constant 0 : i32
    %dma_start3A_331 = arith.constant 0 : i32
    %dma_start3A_332 = tpu.memref_slice %arg8[%dma_start3A_321, %dma_start3A_330, %dma_start3A_331] : memref<5x128x128xf32, #tpu.memory_space<vmem>> -> memref<1x128x128xf32, #tpu.memory_space<vmem>>
    %dma_start3A_333 = tpu.memref_squeeze %dma_start3A_332 : memref<1x128x128xf32, #tpu.memory_space<vmem>> -> memref<128x128xf32, #tpu.memory_space<vmem>>
    tpu.enqueue_dma source(%dma_start3A_333 : memref<128x128xf32, #tpu.memory_space<vmem>>) target(%dma_start3A_329 : memref<128x128xf32, #tpu.memory_space<hbm>>) target_semaphore(%arg22 : memref<!tpu.dma_semaphore, #tpu.memory_space<semaphore_mem>>)
    %dma_wait3A_334 = arith.constant 0 : i32
    %dma_wait3A_335 = arith.constant 0 : i32
    %dma_wait3A_336 = arith.constant 0 : i32
    %dma_wait3A_337 = tpu.memref_slice %arg8[%dma_wait3A_334, %dma_wait3A_335, %dma_wait3A_336] : memref<5x128x128xf32, #tpu.memory_space<vmem>> -> memref<1x128x128xf32, #tpu.memory_space<vmem>>
    %dma_wait3A_338 = tpu.memref_squeeze %dma_wait3A_337 : memref<1x128x128xf32, #tpu.memory_space<vmem>> -> memref<128x128xf32, #tpu.memory_space<vmem>>
    %dma_wait3A_339 = arith.constant 0 : i32
    %dma_wait3A_340 = arith.constant 0 : i32
    %dma_wait3A_341 = tpu.memref_slice %arg5[%dma_wait3A_339, %dma_wait3A_340] : memref<819200x128xf32, #tpu.memory_space<hbm>> -> memref<128x128xf32, #tpu.memory_space<hbm>>
    %dma_wait3A_342 = arith.constant 0 : i32
    %dma_wait3A_343 = arith.constant 0 : i32
    %dma_wait3A_344 = tpu.memref_slice %arg5[%dma_wait3A_342, %dma_wait3A_343] : memref<819200x128xf32, #tpu.memory_space<hbm>> -> memref<128x128xf32, #tpu.memory_space<hbm>>
    %dma_wait3A_345 = arith.constant 0 : i32
    %dma_wait3A_346 = arith.constant 0 : i32
    %dma_wait3A_347 = tpu.memref_slice %arg8[%dma_wait3A_334, %dma_wait3A_345, %dma_wait3A_346] : memref<5x128x128xf32, #tpu.memory_space<vmem>> -> memref<1x128x128xf32, #tpu.memory_space<vmem>>
    %dma_wait3A_348 = tpu.memref_squeeze %dma_wait3A_347 : memref<1x128x128xf32, #tpu.memory_space<vmem>> -> memref<128x128xf32, #tpu.memory_space<vmem>>
    tpu.wait_dma2 semaphore(%arg19 : memref<!tpu.dma_semaphore, #tpu.memory_space<semaphore_mem>>) src(%dma_wait3A_348 : memref<128x128xf32, #tpu.memory_space<vmem>>) dst(%dma_wait3A_344 : memref<128x128xf32, #tpu.memory_space<hbm>>)
    %dma_wait3A_349 = arith.constant 199 : i32
    %dma_wait3A_350 = arith.constant 4 : i32
    %dma_wait3A_351 = arith.constant 0 : i32
    %dma_wait3A_352 = arith.constant 0 : i32
    %dma_wait3A_353 = tpu.memref_slice %arg8[%dma_wait3A_350, %dma_wait3A_351, %dma_wait3A_352] : memref<5x128x128xf32, #tpu.memory_space<vmem>> -> memref<1x128x128xf32, #tpu.memory_space<vmem>>
    %dma_wait3A_354 = tpu.memref_squeeze %dma_wait3A_353 : memref<1x128x128xf32, #tpu.memory_space<vmem>> -> memref<128x128xf32, #tpu.memory_space<vmem>>
    %dma_wait3A_355 = arith.constant 0 : i32
    %dma_wait3A_356 = tpu.memref_slice %arg6[%dma_wait3A_349, %dma_wait3A_355] : memref<200x128xi32, #tpu.memory_space<vmem>> -> memref<1x128xi32, #tpu.memory_space<vmem>>
    %dma_wait3A_357 = tpu.memref_squeeze %dma_wait3A_356 : memref<1x128xi32, #tpu.memory_space<vmem>> -> memref<128xi32, #tpu.memory_space<vmem>>
    %dma_wait3A_358 = arith.constant 0 : i32
    %dma_wait3A_359 = arith.constant 0 : i32
    %dma_wait3A_360 = tpu.memref_slice %arg3[%dma_wait3A_358, %dma_wait3A_359] : memref<100000x128xf32, #tpu.memory_space<hbm>> -> memref<100000x128xf32, #tpu.memory_space<hbm>>
    tpu.wait_indirect_dma semaphore(%arg18 : memref<!tpu.dma_semaphore, #tpu.memory_space<semaphore_mem>>) src(%dma_wait3A_360 : memref<100000x128xf32, #tpu.memory_space<hbm>>) dst(%dma_wait3A_354 : memref<128x128xf32, #tpu.memory_space<vmem>>)
    %add3A_361 = arith.constant 199 : i32
    %add3A_362 = arith.addi %mul3A_2, %add3A_361 : i32
    %mul3A_363 = arith.constant 128 : i32
    %mul3A_364 = arith.muli %add3A_362, %mul3A_363 : i32
    %dma_start3A_365 = arith.constant 4 : i32
    %dma_start3A_366 = arith.constant 0 : i32
    %dma_start3A_367 = arith.constant 0 : i32
    %dma_start3A_368 = tpu.memref_slice %arg8[%dma_start3A_365, %dma_start3A_366, %dma_start3A_367] : memref<5x128x128xf32, #tpu.memory_space<vmem>> -> memref<1x128x128xf32, #tpu.memory_space<vmem>>
    %dma_start3A_369 = tpu.memref_squeeze %dma_start3A_368 : memref<1x128x128xf32, #tpu.memory_space<vmem>> -> memref<128x128xf32, #tpu.memory_space<vmem>>
    %dma_start3A_370 = arith.constant 0 : i32
    %dma_start3A_371 = tpu.memref_slice %arg5[%mul3A_364, %dma_start3A_370] : memref<819200x128xf32, #tpu.memory_space<hbm>> -> memref<128x128xf32, #tpu.memory_space<hbm>>
    %dma_start3A_372 = arith.constant 0 : i32
    %dma_start3A_373 = tpu.memref_slice %arg5[%mul3A_364, %dma_start3A_372] : memref<819200x128xf32, #tpu.memory_space<hbm>> -> memref<128x128xf32, #tpu.memory_space<hbm>>
    %dma_start3A_374 = arith.constant 0 : i32
    %dma_start3A_375 = arith.constant 0 : i32
    %dma_start3A_376 = tpu.memref_slice %arg8[%dma_start3A_365, %dma_start3A_374, %dma_start3A_375] : memref<5x128x128xf32, #tpu.memory_space<vmem>> -> memref<1x128x128xf32, #tpu.memory_space<vmem>>
    %dma_start3A_377 = tpu.memref_squeeze %dma_start3A_376 : memref<1x128x128xf32, #tpu.memory_space<vmem>> -> memref<128x128xf32, #tpu.memory_space<vmem>>
    tpu.enqueue_dma source(%dma_start3A_377 : memref<128x128xf32, #tpu.memory_space<vmem>>) target(%dma_start3A_373 : memref<128x128xf32, #tpu.memory_space<hbm>>) target_semaphore(%arg23 : memref<!tpu.dma_semaphore, #tpu.memory_space<semaphore_mem>>)
    %dma_wait3A_378 = arith.constant 1 : i32
    %dma_wait3A_379 = arith.constant 0 : i32
    %dma_wait3A_380 = arith.constant 0 : i32
    %dma_wait3A_381 = tpu.memref_slice %arg8[%dma_wait3A_378, %dma_wait3A_379, %dma_wait3A_380] : memref<5x128x128xf32, #tpu.memory_space<vmem>> -> memref<1x128x128xf32, #tpu.memory_space<vmem>>
    %dma_wait3A_382 = tpu.memref_squeeze %dma_wait3A_381 : memref<1x128x128xf32, #tpu.memory_space<vmem>> -> memref<128x128xf32, #tpu.memory_space<vmem>>
    %dma_wait3A_383 = arith.constant 0 : i32
    %dma_wait3A_384 = arith.constant 0 : i32
    %dma_wait3A_385 = tpu.memref_slice %arg5[%dma_wait3A_383, %dma_wait3A_384] : memref<819200x128xf32, #tpu.memory_space<hbm>> -> memref<128x128xf32, #tpu.memory_space<hbm>>
    %dma_wait3A_386 = arith.constant 0 : i32
    %dma_wait3A_387 = arith.constant 0 : i32
    %dma_wait3A_388 = tpu.memref_slice %arg5[%dma_wait3A_386, %dma_wait3A_387] : memref<819200x128xf32, #tpu.memory_space<hbm>> -> memref<128x128xf32, #tpu.memory_space<hbm>>
    %dma_wait3A_389 = arith.constant 0 : i32
    %dma_wait3A_390 = arith.constant 0 : i32
    %dma_wait3A_391 = tpu.memref_slice %arg8[%dma_wait3A_378, %dma_wait3A_389, %dma_wait3A_390] : memref<5x128x128xf32, #tpu.memory_space<vmem>> -> memref<1x128x128xf32, #tpu.memory_space<vmem>>
    %dma_wait3A_392 = tpu.memref_squeeze %dma_wait3A_391 : memref<1x128x128xf32, #tpu.memory_space<vmem>> -> memref<128x128xf32, #tpu.memory_space<vmem>>
    tpu.wait_dma2 semaphore(%arg20 : memref<!tpu.dma_semaphore, #tpu.memory_space<semaphore_mem>>) src(%dma_wait3A_392 : memref<128x128xf32, #tpu.memory_space<vmem>>) dst(%dma_wait3A_388 : memref<128x128xf32, #tpu.memory_space<hbm>>)
    %dma_wait3A_393 = arith.constant 2 : i32
    %dma_wait3A_394 = arith.constant 0 : i32
    %dma_wait3A_395 = arith.constant 0 : i32
    %dma_wait3A_396 = tpu.memref_slice %arg8[%dma_wait3A_393, %dma_wait3A_394, %dma_wait3A_395] : memref<5x128x128xf32, #tpu.memory_space<vmem>> -> memref<1x128x128xf32, #tpu.memory_space<vmem>>
    %dma_wait3A_397 = tpu.memref_squeeze %dma_wait3A_396 : memref<1x128x128xf32, #tpu.memory_space<vmem>> -> memref<128x128xf32, #tpu.memory_space<vmem>>
    %dma_wait3A_398 = arith.constant 0 : i32
    %dma_wait3A_399 = arith.constant 0 : i32
    %dma_wait3A_400 = tpu.memref_slice %arg5[%dma_wait3A_398, %dma_wait3A_399] : memref<819200x128xf32, #tpu.memory_space<hbm>> -> memref<128x128xf32, #tpu.memory_space<hbm>>
    %dma_wait3A_401 = arith.constant 0 : i32
    %dma_wait3A_402 = arith.constant 0 : i32
    %dma_wait3A_403 = tpu.memref_slice %arg5[%dma_wait3A_401, %dma_wait3A_402] : memref<819200x128xf32, #tpu.memory_space<hbm>> -> memref<128x128xf32, #tpu.memory_space<hbm>>
    %dma_wait3A_404 = arith.constant 0 : i32
    %dma_wait3A_405 = arith.constant 0 : i32
    %dma_wait3A_406 = tpu.memref_slice %arg8[%dma_wait3A_393, %dma_wait3A_404, %dma_wait3A_405] : memref<5x128x128xf32, #tpu.memory_space<vmem>> -> memref<1x128x128xf32, #tpu.memory_space<vmem>>
    %dma_wait3A_407 = tpu.memref_squeeze %dma_wait3A_406 : memref<1x128x128xf32, #tpu.memory_space<vmem>> -> memref<128x128xf32, #tpu.memory_space<vmem>>
    tpu.wait_dma2 semaphore(%arg21 : memref<!tpu.dma_semaphore, #tpu.memory_space<semaphore_mem>>) src(%dma_wait3A_407 : memref<128x128xf32, #tpu.memory_space<vmem>>) dst(%dma_wait3A_403 : memref<128x128xf32, #tpu.memory_space<hbm>>)
    %dma_wait3A_408 = arith.constant 3 : i32
    %dma_wait3A_409 = arith.constant 0 : i32
    %dma_wait3A_410 = arith.constant 0 : i32
    %dma_wait3A_411 = tpu.memref_slice %arg8[%dma_wait3A_408, %dma_wait3A_409, %dma_wait3A_410] : memref<5x128x128xf32, #tpu.memory_space<vmem>> -> memref<1x128x128xf32, #tpu.memory_space<vmem>>
    %dma_wait3A_412 = tpu.memref_squeeze %dma_wait3A_411 : memref<1x128x128xf32, #tpu.memory_space<vmem>> -> memref<128x128xf32, #tpu.memory_space<vmem>>
    %dma_wait3A_413 = arith.constant 0 : i32
    %dma_wait3A_414 = arith.constant 0 : i32
    %dma_wait3A_415 = tpu.memref_slice %arg5[%dma_wait3A_413, %dma_wait3A_414] : memref<819200x128xf32, #tpu.memory_space<hbm>> -> memref<128x128xf32, #tpu.memory_space<hbm>>
    %dma_wait3A_416 = arith.constant 0 : i32
    %dma_wait3A_417 = arith.constant 0 : i32
    %dma_wait3A_418 = tpu.memref_slice %arg5[%dma_wait3A_416, %dma_wait3A_417] : memref<819200x128xf32, #tpu.memory_space<hbm>> -> memref<128x128xf32, #tpu.memory_space<hbm>>
    %dma_wait3A_419 = arith.constant 0 : i32
    %dma_wait3A_420 = arith.constant 0 : i32
    %dma_wait3A_421 = tpu.memref_slice %arg8[%dma_wait3A_408, %dma_wait3A_419, %dma_wait3A_420] : memref<5x128x128xf32, #tpu.memory_space<vmem>> -> memref<1x128x128xf32, #tpu.memory_space<vmem>>
    %dma_wait3A_422 = tpu.memref_squeeze %dma_wait3A_421 : memref<1x128x128xf32, #tpu.memory_space<vmem>> -> memref<128x128xf32, #tpu.memory_space<vmem>>
    tpu.wait_dma2 semaphore(%arg22 : memref<!tpu.dma_semaphore, #tpu.memory_space<semaphore_mem>>) src(%dma_wait3A_422 : memref<128x128xf32, #tpu.memory_space<vmem>>) dst(%dma_wait3A_418 : memref<128x128xf32, #tpu.memory_space<hbm>>)
    %dma_wait3A_423 = arith.constant 4 : i32
    %dma_wait3A_424 = arith.constant 0 : i32
    %dma_wait3A_425 = arith.constant 0 : i32
    %dma_wait3A_426 = tpu.memref_slice %arg8[%dma_wait3A_423, %dma_wait3A_424, %dma_wait3A_425] : memref<5x128x128xf32, #tpu.memory_space<vmem>> -> memref<1x128x128xf32, #tpu.memory_space<vmem>>
    %dma_wait3A_427 = tpu.memref_squeeze %dma_wait3A_426 : memref<1x128x128xf32, #tpu.memory_space<vmem>> -> memref<128x128xf32, #tpu.memory_space<vmem>>
    %dma_wait3A_428 = arith.constant 0 : i32
    %dma_wait3A_429 = arith.constant 0 : i32
    %dma_wait3A_430 = tpu.memref_slice %arg5[%dma_wait3A_428, %dma_wait3A_429] : memref<819200x128xf32, #tpu.memory_space<hbm>> -> memref<128x128xf32, #tpu.memory_space<hbm>>
    %dma_wait3A_431 = arith.constant 0 : i32
    %dma_wait3A_432 = arith.constant 0 : i32
    %dma_wait3A_433 = tpu.memref_slice %arg5[%dma_wait3A_431, %dma_wait3A_432] : memref<819200x128xf32, #tpu.memory_space<hbm>> -> memref<128x128xf32, #tpu.memory_space<hbm>>
    %dma_wait3A_434 = arith.constant 0 : i32
    %dma_wait3A_435 = arith.constant 0 : i32
    %dma_wait3A_436 = tpu.memref_slice %arg8[%dma_wait3A_423, %dma_wait3A_434, %dma_wait3A_435] : memref<5x128x128xf32, #tpu.memory_space<vmem>> -> memref<1x128x128xf32, #tpu.memory_space<vmem>>
    %dma_wait3A_437 = tpu.memref_squeeze %dma_wait3A_436 : memref<1x128x128xf32, #tpu.memory_space<vmem>> -> memref<128x128xf32, #tpu.memory_space<vmem>>
    tpu.wait_dma2 semaphore(%arg23 : memref<!tpu.dma_semaphore, #tpu.memory_space<semaphore_mem>>) src(%dma_wait3A_437 : memref<128x128xf32, #tpu.memory_space<vmem>>) dst(%dma_wait3A_433 : memref<128x128xf32, #tpu.memory_space<hbm>>)
    return
  }
}

</mosaic_0001>

<sc_bundles>
// kernel: kernel.3.cloned.1.call-start
scs
__scs_entry_jumppad:
0x0: {  	(pc) =	sbr.rel $0x88, $3  }
0x1: {  	(tag) =	ssettag $0x0;
	lr =	simm.s32 $0x1  }
0x2: {  	[smem:$0x3F9F] =	sst lr;
	_ =	strace $0xD0000000  }
0x3: {  	_ = 	snop  }
0x4: {  	_ = 	snop  }
0x5: {  	_ = 	snop  }
0x6: {  	_ = 	snop  }
0x7: {  	_ = 	snop  }
__scs_overlays_trampoline_lowered:
0x8: {  	[smem:$0x3FAE] =	sst s0  }
0x9: {  	[smem:$0x3FAF] =	sst s1  }
0xa: {  	[smem:$0x3FB0] =	sst s2  }
0xb: {  	[smem:$0x3FB1] =	sst s3  }
0xc: {  	[smem:$0x3FB2] =	sst s4  }
0xd: {  	[smem:$0x3FB3] =	sst s5  }
0xe: {  	[smem:$0x3FB4] =	sst s6  }
0xf: {  	[smem:$0x3FB5] =	sst s7  }
0x10: {  	[smem:$0x3FB6] =	sst s8  }
0x11: {  	[smem:$0x3FB7] =	sst s9;
	s0 =	simm.s32 @!p0 $0x0  }
0x12: {  	s1 =	sld [smem:$0x3F9D];
	s0 =	simm.s32 @p0 $0x1  }
0x13: {  	[smem:$0x3FB8] =	sst s0;
	s0 =	simm.s32 @!p1 $0x0  }
0x14: {  	s2 =	sld [smem:$0x3F9C];
	s0 =	simm.s32 @p1 $0x1  }
0x15: {  	[smem:$0x3FB9] =	sst s0;
	s0 =	simm.s32 @!p2 $0x0  }
0x16: {  	s3 =	sld [smem:$0x3FDB];
	s0 =	simm.s32 @p2 $0x1  }
0x17: {  	s4 =	simm.s32 $0x1BF5;
	[smem:$0x3FBB] =	sst s0  }
0x18: {  	s0 =	sld [smem:$0x3F9E];
	_ =	swait.ge [sflag:s4], $0x0  }
0x19: {  	s7 =	sld [smem:$0x3F9F]  }
0x1a: {  	s8 =	sadd.s32 $0xFFFFE003, lr  }
0x1b: {  	s9 =	sadd.s32 $0xFFFFFEF7, lr;
	s5 =	simm.s32 $0xFFFFFFFF;
	p2 =	slt.u32 s8, $0xFFFFF086  }
0x1c: {  	p1 =	slt.u32 s9, $0xF7A;
	s5 =	simm.s32 @!p2 $0x0  }
0x1d: {  	s5 =	simm.s32 @p1 $0x1;
	p0 =	seq.s32 s7, s2  }
0x1e: {  	s7 =	smul.u32 @!p0 $0xF7A, s2;
	p2 =	seq.s32 @!p0 s5, $0x0  }
0x1f: {  	s9 =	smul.u32 $0xF7A, s1;
	s8 =	simm.s32 @!p0 $0x1BF5;
	p2 =	por !p2, p0  }
0x20: {  	[sflag:s8] =	ssyncset.s32 @!p0 $0xFFFFF086;
	s6 =	sadd.s32 @!p0 s3, s7;
	s7 =	simm.s32 @!p0 $0x108  }
0x21: {  	s3 =	sadd.s32 s3, s9;
	s6 =	sadd.s32 @!p0 $0x88, s6;
	s7 =	simm.s32 @p2 $0x1082  }
0x22: {  	[simem:s7], [sflag:s8] =	dma.local @!p0 [hbm:s6], $0xF7A  }
0x23: {  	s9 =	sor.u32 $0xD0000000, s2;
	s6 =	simm.s32 $0x108;
	_ =	swait.ge @!p0 [sflag:s8], $0x0  }
0x24: {  	s3 =	sadd.s32 $0x88, s3;
	s6 =	simm.s32 @!p1 $0x1082;
	[sflag:s4] =	ssyncset.s32 $0xFFFFF086  }
0x25: {  	[simem:s6], [sflag:s4] =	dma.local [hbm:s3], $0xF7A  }
0x26: {  	[smem:$0x3F9F] =	sst s1;
	(tag) =	ssettag s2;
	_ =	strace s9  }
0x27: {  	s1 =	sld [smem:$0x3FAF]  }
0x28: {  	s2 =	sld [smem:$0x3FB0]  }
0x29: {  	s4 =	sld [smem:$0x3FB2]  }
0x2a: {  	p0 =	seq.s32 s5, $0x0;
	s5 =	sld [smem:$0x3FB3]  }
0x2b: {  	s6 =	sld [smem:$0x3FB4]  }
0x2c: {  	s7 =	sld [smem:$0x3FB5]  }
0x2d: {  	s3 =	simm.s32 $0x108;
	s8 =	sld [smem:$0x3FB6]  }
0x2e: {  	s3 =	simm.s32 @!p0 $0x1082;
	s9 =	sld [smem:$0x3FB7]  }
0x2f: {  	lr =	sadd.s32 s0, s3;
	s0 =	sld [smem:$0x3FAE]  }
0x30: {  	s3 =	sld [smem:$0x3FB1]  }
0x31: {  	[smem:$0x3FBA] =	sst s10  }
0x32: {  	s10 =	sld [smem:$0x3FB8];
	_ =	sdelay $0x3  }
0x33: {  	p0 =	seq.s32 s10, $0x1;
	s10 =	sld [smem:$0x3FBA];
	_ =	sdelay $0x3  }
0x34: {  	[smem:$0x3FBA] =	sst s10  }
0x35: {  	s10 =	sld [smem:$0x3FB9];
	_ =	sdelay $0x3  }
0x36: {  	p1 =	seq.s32 s10, $0x1;
	s10 =	sld [smem:$0x3FBA];
	_ =	sdelay $0x3  }
0x37: {  	[smem:$0x3FBA] =	sst s10  }
0x38: {  	s10 =	sld [smem:$0x3FBB]  }
0x39: {  	_ = 	snop;
	(pc) =	sbr.ind lr, $3  }
0x3a: {  	_ = 	snop  }
0x3b: {  	_ = 	snop  }
0x3c: {  	p2 =	seq.s32 s10, $0x1;
	s10 =	sld [smem:$0x3FBA]  }
0x3d: {  	_ =	shalt  }
0x3e: {  	_ =	shalt  }
0x3f: {  	_ =	shalt  }
0x40: {  	_ =	shalt  }
0x41: {  	_ =	shalt  }
0x42: {  	_ =	shalt  }
0x43: {  	_ =	shalt  }
0x44: {  	_ =	shalt  }
0x45: {  	_ =	shalt  }
0x46: {  	_ =	shalt  }
0x47: {  	_ =	shalt  }
0x48: {  	_ =	shalt  }
0x49: {  	_ =	shalt  }
0x4a: {  	_ =	shalt  }
0x4b: {  	_ =	shalt  }
0x4c: {  	_ =	shalt  }
0x4d: {  	_ =	shalt  }
0x4e: {  	_ =	shalt  }
0x4f: {  	_ =	shalt  }
0x50: {  	_ =	shalt  }
0x51: {  	_ =	shalt  }
0x52: {  	_ =	shalt  }
0x53: {  	_ =	shalt  }
0x54: {  	_ =	shalt  }
0x55: {  	_ =	shalt  }
0x56: {  	_ =	shalt  }
0x57: {  	_ =	shalt  }
0x58: {  	_ =	shalt  }
0x59: {  	_ =	shalt  }
0x5a: {  	_ =	shalt  }
0x5b: {  	_ =	shalt  }
0x5c: {  	_ =	shalt  }
0x5d: {  	_ =	shalt  }
0x5e: {  	_ =	shalt  }
0x5f: {  	_ =	shalt  }
0x60: {  	_ =	shalt  }
0x61: {  	_ =	shalt  }
0x62: {  	_ =	shalt  }
0x63: {  	_ =	shalt  }
0x64: {  	_ =	shalt  }
0x65: {  	_ =	shalt  }
0x66: {  	_ =	shalt  }
0x67: {  	_ =	shalt  }
0x68: {  	_ =	shalt  }
0x69: {  	_ =	shalt  }
0x6a: {  	_ =	shalt  }
0x6b: {  	_ =	shalt  }
0x6c: {  	_ =	shalt  }
0x6d: {  	_ =	shalt  }
0x6e: {  	_ =	shalt  }
0x6f: {  	_ =	shalt  }
0x70: {  	_ =	shalt  }
0x71: {  	_ =	shalt  }
0x72: {  	_ =	shalt  }
0x73: {  	_ =	shalt  }
0x74: {  	_ =	shalt  }
0x75: {  	_ =	shalt  }
0x76: {  	_ =	shalt  }
0x77: {  	_ =	shalt  }
0x78: {  	_ =	shalt  }
0x79: {  	_ =	shalt  }
0x7a: {  	_ =	shalt  }
0x7b: {  	_ =	shalt  }
0x7c: {  	_ =	shalt  }
0x7d: {  	_ =	shalt  }
0x7e: {  	_ =	shalt  }
0x7f: {  	_ =	shalt  }
0x80: {  	_ =	shalt  }
0x81: {  	_ =	shalt  }
0x82: {  	_ =	shalt  }
0x83: {  	_ =	shalt  }
0x84: {  	_ =	shalt  }
0x85: {  	_ =	shalt  }
0x86: {  	_ =	shalt  }
0x87: {  	_ =	shalt  }
.Lfunc_end0:
.L_simem_size_0:
called_computation_lowered:
.L_overlay_start_0:
0x88: {  	s2 =	sld [smem:$0x3FD9]  }
0x89: {  	s3 =	sld [smem:$0x3FFE];
	_ =	sdelay $0x1  }
0x8a: {  	s1 =	srdreg.scid  }
0x8b: {  	s0 =	sand.u32 $0x1, s1  }
0x8c: {  	s17 =	sshll.u32 s0, $0xA;
	s2 =	sadd.s32 s3, s2  }
0x8d: {  	s2 =	sadd.s32 s2, s17  }
0x8e: {  	[smem:$0x3FC6] =	sst s2  }
0x8f: {  	_ = 	snop  }
0x90: {  	s2 =	sld [smem:$0x3FC8]  }
0x91: {  	s18 =	sld [smem:$0x3FD0];
	(tm) =	ssettm $0x1  }
0x92: {  	s4 =	sld [smem:$0x3FFB];
	_ =	sdelay $0x3  }
0x93: {  	_ =	strace s4  }
0x94: {  	s4 =	sld [smem:$0x3FFC];
	_ =	sdelay $0x3  }
0x95: {  	_ =	strace s4  }
0x96: {  	s4 =	sld [smem:$0x3FFD];
	_ =	sdelay $0x3  }
0x97: {  	_ =	strace s4  }
0x98: {  	_ =	strace $0x8FFFFFFF  }
0x99: {  	s19 =	sld [smem:$0x3FDB];
	_ =	sdelay $0x1  }
0x9a: {  	s5 =	simm.s32 $_scs_section_size  }
0x9b: {  	s6 =	simm.s32 $_size__tile_overlayer_lowered;
	s7 =	simm.s32 $_tile_overlayer_lowered  }
0x9c: {  	s22 =	simm.s32 $0x1BFF;
	s21 =	sshll.u32 s7, $0x1;
	s4 =	sadd.s32 s5, s19  }
0x9d: {  	s8 =	simm.s32 $0x0;
	s20 =	sshll.u32 s6, $0x1;
	s6 =	sadd.s32 s21, s4  }
0x9e: {  	[timem:s8], [sflag:s22] =	dma.local [hbm:s6], s20  }
0x9f: {  	_ =	swait.ge [sflag:s22], s20  }
0xa0: {  	s5 =	ssub.s32 $0x0, s20;
	[sflag:s22] =	ssyncset.done $0x0  }
0xa1: {  	[sflag:s22] =	ssyncadd.s32 s5;
	_ =	sdelay $0x1  }
0xa2: {  	s23 =	simm.s32 $0x1B8B  }
0xa3: {  	_ =	swait.ge [sflag:s23], $0x1  }
0xa4: {  	[sflag:s23] =	ssyncset.done $0x0  }
0xa5: {  	s25 =	simm.s32 $0x1B8E;
	s24 =	sld [smem:$0x3FFE];
	[sflag:s23] =	ssyncadd.s32 $0xFFFFFFFF  }
0xa6: {  	s26 =	simm.s32 $execute0_lowered;
	[smem:$0x3FD2] =	sst s25  }
0xa7: {  	s6 =	sshll.u32 s26, $0x1;
	_ =	strace $0x80000046;
	[dreg:$0x1] =	wrdreg $0xFFFFFFFF  }
0xa8: {  	s28 =	simm.s32 $_size_execute0_lowered;
	s4 =	sadd.s32 s4, s6;
	[dreg:$0x0] =	wrdreg $0x0  }
0xa9: {  	s6 =	sshll.u32 s28, $0x1;
	[dreg:$0x2] =	wrdreg s4  }
0xaa: {  	[dreg:$0x3] =	wrdreg s6  }
0xab: {  	[dreg:$0x4] =	wrdreg $0xC0  }
0xac: {  	_ =	task [dreg:s8], $0x5FFFF  }
0xad: {  	[dreg:$0x1] =	wrdreg $0xFFFFFFFF  }
0xae: {  	[dreg:$0x0] =	wrdreg $0x60  }
0xaf: {  	[dreg:$0x2] =	wrdreg s24  }
0xb0: {  	[dreg:$0x3] =	wrdreg s2  }
0xb1: {  	[dreg:$0x4] =	wrdreg s18  }
0xb2: {  	[dreg:$0x5] =	wrdreg $0x64000  }
0xb3: {  	[dreg:$0x6] =	wrdreg $0x9  }
0xb4: {  	_ =	task.clear_ibuf [dreg:s8], $0x7FFFF;
	_ =	strace $0x90000046  }
0xb5: {  	s29 =	simm.s32 $0x9;
	_ =	strace $0x80000048  }
0xb6: {  	_ =	swait.ge [sflag:s29], $0x1  }
0xb7: {  	[sflag:s29] =	ssyncadd.s32 $0xFFFFFFFF  }
0xb8: {  	_ =	strace $0x90000048  }
0xb9: {  	_ =	sfence  }
0xba: {  	s30 =	sld [smem:$0x0];
	_ =	sdelay $0x2  }
0xbb: {  	s31 =	sshll.u32 s1, $0xD;
	s1 =	sshrl.u32 s1, $0x2  }
0xbc: {  	s3 =	sand.u32 $0x4000, s31;
	s1 =	sadd.s32 s1, s30  }
0xbd: {  	s0 =	sor.u32 s3, s0;
	s1 =	sshll.u32 s1, $0x11  }
0xbe: {  	s0 =	sor.u32 s1, s0  }
0xbf: {  	s0 =	sadd.s32 $0x8F2B, s0  }
0xc0: {  	[sflag:s0] =	ssyncadd.remote.s32 $0x1  }
0xc1: {  	_ =	sfence.sel $0xFFFF  }
0xc2: {  	[dreg:$0x0] =	wrdreg $0xFFFFFFFF;
	(pc) =	sbr.abs _section_cstart, $3  }
0xc3: {  	[dreg:$0x1] =	wrdreg $0xFFFFFFFF  }
0xc4: {  	_ =	task.clear_ibuf [dreg:s8], $0x2FFFF;
	_ =	strace $0x9FFFFFFF  }
0xc5: {  	(tm) =	ssettm $0x7FFFFFFF  }
tec
execute0_lowered:
.L_overlay_start_1:
0x0: {  	(tag) =	ssettag $0x1  }
0x1: {  	s1 =	rddreg [dreg:$0x0]  }
0x2: {  	s0 =	rddreg [dreg:$0x1]  }
0x3: {  	s4 =	rddreg [dreg:$0x2];
	s3 =	srdreg.scid  }
0x4: {  	s5 =	stileid.u32;
	s2 =	rddreg [dreg:$0x3]  }
0x5: {  	s31 =	simm.s32 $0x4;
	s28 =	simm.s32 $0x8;
	s11 =	simm.s32 $0xE  }
0x6: {  	s12 =	simm.s32 $0xF;
	s13 =	simm.s32 $0x0;
	s29 =	simm.s32 $0x2  }
0x7: {  	s30 =	simm.s32 $0xF080;
	s6 =	sand.u32 $0x1, s3;
	s7 =	sshll.u32 s5, $0x1  }
0x8: {  	s3 =	simm.s32 $0x0;
	s18 =	smul.u32 $0x190, s5;
	s19 =	sadd.s32 $0x4000, s2  }
0x9: {  	s21 =	sadd.s32 $0x1C00, s2;
	s23 =	sadd.s32 $0x5C00, s2;
	s24 =	sadd.s32 $0x3800, s2  }
0xa: {  	s7 =	sor.u32 s6, s7;
	[smem:$0x7FF] =	sst s3;
	s9 =	ssub.s32 $0x2, s6  }
0xb: {  	s6 =	smul.u32 $0xC8, s6;
	_ =	strace $0x80000047;
	[dreg:$0x7] =	wrdreg s19  }
0xc: {  	p0 =	sne.s32 s5, $0x0;
	s8 =	smul.u32 $0xC80, s7;
	[dreg:$0x9] =	wrdreg s21  }
0xd: {  	s5 =	simm.s32 $0x9;
	s10 =	smul.u32 $0x64000, s7;
	[dreg:$0xb] =	wrdreg s23  }
0xe: {  	s17 =	sshrl.u32 s9, $0x1;
	s7 =	smul.u32 $0x320000, s7;
	[dreg:$0xd] =	wrdreg s24  }
0xf: {  	s24 =	simm.s32 $0x7080;
	s19 =	simm.s32 $0x2;
	s6 =	sadd.s32 s6, s18  }
0x10: {  	s18 =	simm.s32 $0x1;
	s8 =	sadd.s32 s8, s1;
	s1 =	sadd.s32 $0x19600, s1  }
0x11: {  	s20 =	sadd.s32 s4, s10;
	s7 =	sshrl.u32 s7, $0x3;
	s6 =	sshll.u32 s6, $0xB  }
0x12: {  	s10 =	simm.s32 $0xD;
	[dreg:$0x5] =	wrdreg s1;
	s1 =	ssub.s32 s9, s17  }
0x13: {  	s8 =	sadd.s32 $0x600, s8;
	s22 =	sadd.s32 $0x800, s20;
	[dreg:$0x8] =	wrdreg s20  }
0x14: {  	s9 =	sadd.s32 $0x1000, s20;
	s7 =	sadd.s32 s4, s7;
	[dreg:$0x6] =	wrdreg s8  }
0x15: {  	s4 =	sadd.s32 s6, s4;
	s6 =	simm.s32 $0xB;
	[dreg:$0xa] =	wrdreg s22  }
0x16: {  	[dreg:$0xc] =	wrdreg s9;
	s25 =	sadd.s32 $0x63000, s7;
	s7 =	sadd.s32 $0x63800, s7  }
0x17: {  	s1 =	smax.u32 s1, $0x1;
	s26 =	sadd.s32 $0x3800, s4;
	[dreg:$0xe] =	wrdreg s25  }
0x18: {  	s22 =	simm.s32 $0x80;
	s4 =	simm.s32 $0x5;
	[dreg:$0xf] =	wrdreg s7  }
0x19: {  	s8 =	simm.s32 $0xA;
	s9 =	simm.s32 $0xC;
	[dreg:$0x10] =	wrdreg s1  }
0x1a: {  	[dreg:$0x11] =	wrdreg s26;
	s1 =	sshrl.u32 @!p0 s2, $0x3;
	s25 =	simm.s32 $0x6  }
0x1b: {  	s26 =	simm.s32 $0x1;
	[dreg:$0x12] =	wrdreg s1;
	s1 =	simm.s32 $0x17080  }
.LBB2_1:
0x1c: {  	[dreg:$0x13] =	wrdreg s13  }
0x1d: {  	s7 =	rddreg [dreg:$0x6];
	s17 =	simm.s32 $0x10  }
0x1e: {  	[tilespmem:s3], [sflag:$0x10] =	stream.linear.gather [hbm4b:s7+s3], $0x6400, $0x38;
	[tilespmem:$0x1B080] =	vst v63  }
0x1f: {  	_ =	swait.ge [sflag:s17], $0x6400  }
0x20: {  	[sflag:s17] =	ssyncset.done $0x0;
	s13 =	rddreg [dreg:$0x5]  }
0x21: {  	s7 =	simm.s32 @!p0 $0x1C10;
	s14 =	rddreg [dreg:$0x12];
	[sflag:s17] =	ssyncadd.s32 $0xFFFF9C00  }
0x22: {  	[spmem:s14], [sflag:s7] =	dma.local @!p0 [hbm:s13], $0x1900  }
0x23: {  	s7 =	simm.s32 @!p0 $0x10  }
0x24: {  	_ =	swait.ge @!p0 [sflag:s7], $0x1900  }
0x25: {  	[sflag:s7] =	ssyncset.done @!p0 $0x0  }
0x26: {  	[sflag:s7] =	ssyncadd.s32 @!p0 $0xFFFFE700  }
0x27: {  	[bflag:$0x0] =	sbarrier.arrive $0xFFFF  }
0x28: {  	[tilespmem:s24], [sflag:$0x1] =	stream.linear.gather [spmem:s2], $0x4000, $0x38;
	[tilespmem:$0x1B080] =	vst v63  }
0x29: {  	s15 =	simm.s32 $0xB080;
	s20 =	rddreg [dreg:$0x7]  }
0x2a: {  	[tilespmem:s15], [sflag:$0x2] =	stream.linear.gather [spmem:s20], $0x4000, $0x38;
	[tilespmem:$0x1B080] =	vst v63  }
0x2b: {  	_ =	swait.ge [sflag:s18], $0x4000  }
0x2c: {  	[sflag:s18] =	ssyncset.done $0x0  }
0x2d: {  	[sflag:s18] =	ssyncadd.s32 $0xFFFFC000  }
0x2e: {  	[tilespmem:s24], [sflag:$0x6] =	stream.indirect.gather.add.f32 [hbm:s0], $0x80, s3, s22, $0xb8;
	[tilespmem:$0x1B080] =	vst v63  }
0x2f: {  	_ =	swait.ge [sflag:s19], $0x4000  }
0x30: {  	[sflag:s19] =	ssyncset.done $0x0  }
0x31: {  	[sflag:s19] =	ssyncadd.s32 $0xFFFFC000  }
0x32: {  	[tilespmem:s15], [sflag:$0x7] =	stream.indirect.gather.add.f32 [hbm:s0], $0x80, s22, s22, $0xb8;
	[tilespmem:$0x1B080] =	vst v63  }
0x33: {  	_ =	swait.ge [sflag:s25], $0x4000  }
0x34: {  	[sflag:s25] =	ssyncset.done $0x0  }
0x35: {  	s21 =	rddreg [dreg:$0x8];
	[sflag:s25] =	ssyncadd.s32 $0xFFFFC000  }
0x36: {  	[hbm4b:s21+s3] =	stream.linear.scatter [tilespmem:s24], [sflag:$0xB], $0x4000, $0x38;
	[tilespmem:$0x1B080] =	vst v63  }
0x37: {  	s13 =	simm.s32 $0xF080;
	s14 =	simm.s32 $0x3;
	s23 =	rddreg [dreg:$0x9]  }
0x38: {  	[tilespmem:s13], [sflag:$0x3] =	stream.linear.gather [spmem:s23], $0x4000, $0x38;
	[tilespmem:$0x1B080] =	vst v63  }
0x39: {  	_ =	swait.ge [sflag:s14], $0x4000  }
0x3a: {  	[sflag:s14] =	ssyncset.done $0x0  }
0x3b: {  	s16 =	simm.s32 $0x100;
	s17 =	simm.s32 $0x7;
	[sflag:s14] =	ssyncadd.s32 $0xFFFFC000  }
0x3c: {  	[tilespmem:s13], [sflag:$0x8] =	stream.indirect.gather.add.f32 [hbm:s0], $0x80, s16, s22, $0xb8;
	[tilespmem:$0x1B080] =	vst v63  }
0x3d: {  	_ =	swait.ge [sflag:s17], $0x4000  }
0x3e: {  	[sflag:s17] =	ssyncset.done $0x0  }
0x3f: {  	s20 =	rddreg [dreg:$0xa];
	[sflag:s17] =	ssyncadd.s32 $0xFFFFC000  }
0x40: {  	[hbm4b:s20+s3] =	stream.linear.scatter [tilespmem:s15], [sflag:$0xC], $0x4000, $0x38;
	[tilespmem:$0x1B080] =	vst v63  }
0x41: {  	s14 =	simm.s32 $0x13080;
	s21 =	rddreg [dreg:$0xb]  }
0x42: {  	[tilespmem:s14], [sflag:$0x4] =	stream.linear.gather [spmem:s21], $0x4000, $0x38;
	[tilespmem:$0x1B080] =	vst v63  }
0x43: {  	_ =	swait.ge [sflag:s31], $0x4000  }
0x44: {  	[sflag:s31] =	ssyncset.done $0x0  }
0x45: {  	s23 =	simm.s32 $0x180;
	[sflag:s31] =	ssyncadd.s32 $0xFFFFC000  }
0x46: {  	[tilespmem:s14], [sflag:$0x9] =	stream.indirect.gather.add.f32 [hbm:s0], $0x80, s23, s22, $0xb8;
	[tilespmem:$0x1B080] =	vst v63  }
0x47: {  	_ =	swait.ge [sflag:s28], $0x4000  }
0x48: {  	[sflag:s28] =	ssyncset.done $0x0  }
0x49: {  	s16 =	rddreg [dreg:$0xc];
	[sflag:s28] =	ssyncadd.s32 $0xFFFFC000  }
0x4a: {  	[hbm4b:s16+s3] =	stream.linear.scatter [tilespmem:s13], [sflag:$0xD], $0x4000, $0x38;
	[tilespmem:$0x1B080] =	vst v63  }
0x4b: {  	s17 =	rddreg [dreg:$0xd]  }
0x4c: {  	[tilespmem:s1], [sflag:$0x5] =	stream.linear.gather [spmem:s17], $0x4000, $0x38;
	[tilespmem:$0x1B080] =	vst v63  }
0x4d: {  	s17 =	simm.s32 $0x280  }
0x4e: {  	s20 =	sand.u32 $0xFFF8, s17;
	_ =	swait.ge [sflag:s4], $0x4000  }
0x4f: {  	s7 =	sshrl.u32 s20, $0x3;
	[sflag:s4] =	ssyncset.done $0x0  }
0x50: {  	s21 =	simm.s32 $0x200;
	s7 =	smul.u32 $0x147B, s7;
	[sflag:s4] =	ssyncadd.s32 $0xFFFFC000  }
0x51: {  	[tilespmem:s1], [sflag:$0xA] =	stream.indirect.gather.add.f32 [hbm:s0], $0x80, s21, s22, $0xb8;
	[tilespmem:$0x1B080] =	vst v63  }
0x52: {  	s7 =	sshrl.u32 s7, $0x11  }
0x53: {  	_ =	swait.ge [sflag:s5], $0x4000;
	s7 =	smul.u32 $0xC8, s7  }
0x54: {  	[sflag:s5] =	ssyncset.done $0x0;
	s16 =	rddreg [dreg:$0x11]  }
0x55: {  	[sflag:s5] =	ssyncadd.s32 $0xFFFFC000;
	s23 =	sadd.s32 $0xFFFFE000, s16;
	s7 =	ssub.s32 $0x280, s7  }
0x56: {  	[hbm4b:s23+s3] =	stream.linear.scatter [tilespmem:s14], [sflag:$0xE], $0x4000, $0x38;
	[tilespmem:$0x1B080] =	vst v63  }
0x57: {  	s14 =	simm.s32 $0x300;
	s7 =	sand.u32 $0xFFFF, s7;
	_ =	swait.ge [sflag:s6], $0x4000  }
0x58: {  	s13 =	sand.u32 $0xFFF8, s14;
	s7 =	sshll.u32 s7, $0x7;
	[sflag:s6] =	ssyncset.done $0x0  }
0x59: {  	s13 =	sshrl.u32 s13, $0x3;
	[sflag:s6] =	ssyncadd.s32 $0xFFFFC000;
	s7 =	sadd.s32 s7, s2  }
0x5a: {  	[tilespmem:s24], [sflag:$0x1] =	stream.linear.gather [spmem:s7], $0x4000, $0x38;
	[tilespmem:$0x1B080] =	vst v63  }
0x5b: {  	s20 =	smul.u32 $0x147B, s13;
	_ =	swait.ge [sflag:s18], $0x4000  }
0x5c: {  	s21 =	simm.s32 $0x280;
	[sflag:s18] =	ssyncset.done $0x0  }
0x5d: {  	s14 =	simm.s32 $0x380;
	s7 =	sshrl.u32 s20, $0x11;
	[sflag:s18] =	ssyncadd.s32 $0xFFFFC000  }
0x5e: {  	[tilespmem:s24], [sflag:$0x6] =	stream.indirect.gather.add.f32 [hbm:s0], $0x80, s21, s22, $0xb8;
	[tilespmem:$0x1B080] =	vst v63  }
0x5f: {  	s13 =	sand.u32 $0xFFF8, s14;
	s7 =	smul.u32 $0xC8, s7;
	_ =	swait.ge [sflag:s8], $0x4000  }
0x60: {  	s23 =	sadd.s32 $0xFFFFE800, s16;
	s20 =	sshrl.u32 s13, $0x3;
	[sflag:s8] =	ssyncset.done $0x0  }
0x61: {  	s18 =	simm.s32 $0x400;
	s7 =	ssub.s32 $0x300, s7;
	[sflag:s8] =	ssyncadd.s32 $0xFFFFC000  }
0x62: {  	[hbm4b:s23+s3] =	stream.linear.scatter [tilespmem:s1], [sflag:$0xF], $0x4000, $0x38;
	[tilespmem:$0x1B080] =	vst v63  }
0x63: {  	s21 =	sand.u32 $0xFFF8, s18;
	s7 =	sand.u32 $0xFFFF, s7;
	_ =	swait.ge [sflag:s9], $0x4000  }
0x64: {  	s13 =	sshrl.u32 s21, $0x3;
	s7 =	sshll.u32 s7, $0x7;
	[sflag:s9] =	ssyncset.done $0x0  }
0x65: {  	s13 =	smul.u32 $0x147B, s13;
	s7 =	sadd.s32 s7, s2;
	[sflag:s9] =	ssyncadd.s32 $0xFFFFC000  }
0x66: {  	[tilespmem:s15], [sflag:$0x2] =	stream.linear.gather [spmem:s7], $0x4000, $0x38;
	[tilespmem:$0x1B080] =	vst v63  }
0x67: {  	s14 =	smov.u32 s16;
	s7 =	smul.u32 $0x147B, s20;
	_ =	swait.ge [sflag:s19], $0x4000  }
0x68: {  	s23 =	simm.s32 $0x300;
	s13 =	sshrl.u32 s13, $0x11;
	[sflag:s19] =	ssyncset.done $0x0  }
0x69: {  	s13 =	smul.u32 $0xC8, s13;
	s7 =	sshrl.u32 s7, $0x11;
	[sflag:s19] =	ssyncadd.s32 $0xFFFFC000  }
0x6a: {  	[tilespmem:s15], [sflag:$0x7] =	stream.indirect.gather.add.f32 [hbm:s0], $0x80, s23, s22, $0xb8;
	[tilespmem:$0x1B080] =	vst v63  }
0x6b: {  	s13 =	ssub.s32 $0x400, s13;
	s7 =	smul.u32 $0xC8, s7;
	_ =	swait.ge [sflag:s25], $0x4000  }
0x6c: {  	s18 =	simm.s32 $0x400;
	s13 =	sand.u32 $0xFFFF, s13;
	[sflag:s25] =	ssyncset.done $0x0  }
0x6d: {  	s7 =	ssub.s32 $0x380, s7;
	[sflag:s25] =	ssyncadd.s32 $0xFFFFC000;
	s25 =	sadd.s32 $0xFFFFF000, s16  }
0x6e: {  	[hbm4b:s25+s3] =	stream.linear.scatter [tilespmem:s24], [sflag:$0xB], $0x4000, $0x38;
	[tilespmem:$0x1B080] =	vst v63  }
0x6f: {  	s19 =	sshll.u32 s13, $0x7;
	s7 =	sand.u32 $0xFFFF, s7;
	_ =	swait.ge [sflag:s10], $0x4000  }
0x70: {  	s15 =	simm.s32 $0x400;
	s7 =	sshll.u32 s7, $0x7;
	[sflag:s10] =	ssyncset.done $0x0  }
0x71: {  	s20 =	sadd.s32 s7, s2;
	s7 =	simm.s32 $0x0;
	[sflag:s10] =	ssyncadd.s32 $0xFFFFC000  }
.LBB2_2:
0x72: {  	[tilespmem:s30], [sflag:$0x3] =	stream.linear.gather [spmem:s20], $0x4000, $0x38;
	[tilespmem:$0x1B080] =	vst v63  }
0x73: {  	s20 =	smov.u32 s17  }
0x74: {  	s13 =	sadd.s32 $0x280, s17;
	s25 =	simm.s32 $0x3;
	s21 =	sadd.s32 $0xFFFFFF80, s15  }
0x75: {  	s24 =	sadd.s32 $0x480, s7;
	_ =	swait.ge [sflag:s25], $0x4000;
	s23 =	sand.u32 $0xFFF8, s13  }
0x76: {  	s15 =	sadd.s32 $0x280, s15;
	[sflag:s25] =	ssyncset.done $0x0;
	s7 =	sshrl.u32 s23, $0x3  }
0x77: {  	s23 =	sand.u32 $0xFFF8, s24;
	[sflag:s25] =	ssyncadd.s32 $0xFFFFC000;
	s25 =	simm.s32 $0x7  }
0x78: {  	[tilespmem:s30], [sflag:$0x8] =	stream.indirect.gather.add.f32 [hbm:s0], $0x80, s21, s22, $0xb8;
	[tilespmem:$0x1B080] =	vst v63  }
0x79: {  	s23 =	sshrl.u32 s23, $0x3;
	s21 =	sadd.s32 $0xFFFFF800, s14;
	_ =	swait.ge [sflag:s25], $0x4000  }
0x7a: {  	s19 =	sadd.s32 s19, s2;
	s7 =	smul.u32 $0x147B, s7;
	[sflag:s25] =	ssyncset.done $0x0  }
0x7b: {  	s23 =	smul.u32 $0x147B, s23;
	[sflag:s25] =	ssyncadd.s32 $0xFFFFC000;
	s25 =	simm.s32 $0xB080  }
0x7c: {  	[hbm4b:s21+s3] =	stream.linear.scatter [tilespmem:s25], [sflag:$0xC], $0x4000, $0x38;
	[tilespmem:$0x1B080] =	vst v63  }
0x7d: {  	p1 =	sne.s32 s17, $0x5F00;
	s21 =	sshrl.u32 s23, $0x11  }
0x7e: {  	s7 =	sshrl.u32 s7, $0x11;
	_ =	swait.ge [sflag:s11], $0x4000;
	s17 =	smul.u32 $0xC8, s21  }
0x7f: {  	s23 =	simm.s32 $0x13080;
	s21 =	smul.u32 $0xC8, s7;
	[sflag:s11] =	ssyncset.done $0x0  }
0x80: {  	s7 =	smov.u32 s20;
	[sflag:s11] =	ssyncadd.s32 $0xFFFFC000;
	s17 =	ssub.s32 s24, s17  }
0x81: {  	[tilespmem:s23], [sflag:$0x4] =	stream.linear.gather [spmem:s19], $0x4000, $0x38;
	[tilespmem:$0x1B080] =	vst v63  }
0x82: {  	s24 =	simm.s32 $0x7080;
	s19 =	ssub.s32 s13, s21;
	_ =	swait.ge [sflag:s31], $0x4000  }
0x83: {  	s17 =	sand.u32 $0xFFFF, s17;
	s19 =	sand.u32 $0xFFFF, s19;
	[sflag:s31] =	ssyncset.done $0x0  }
0x84: {  	s20 =	sadd.s32 $0x300, s7;
	s17 =	sshll.u32 s17, $0x7;
	[sflag:s31] =	ssyncadd.s32 $0xFFFFC000  }
0x85: {  	[tilespmem:s23], [sflag:$0x9] =	stream.indirect.gather.add.f32 [hbm:s0], $0x80, s18, s22, $0xb8;
	[tilespmem:$0x1B080] =	vst v63  }
0x86: {  	s21 =	sand.u32 $0xFFF8, s20;
	s19 =	sshll.u32 s19, $0x7;
	_ =	swait.ge [sflag:s28], $0x4000  }
0x87: {  	s18 =	smov.u32 s15;
	[sflag:s28] =	ssyncset.done $0x0  }
0x88: {  	s21 =	sshrl.u32 s21, $0x3;
	[sflag:s28] =	ssyncadd.s32 $0xFFFFC000  }
0x89: {  	s14 =	sadd.s32 $0x2800, s14;
	s21 =	smul.u32 $0x147B, s21  }
0x8a: {  	[hbm4b:s16+s3] =	stream.linear.scatter [tilespmem:s30], [sflag:$0xD], $0x4000, $0x38;
	[tilespmem:$0x1B080] =	vst v63  }
0x8b: {  	s21 =	sshrl.u32 s21, $0x11;
	s16 =	smov.u32 s14;
	_ =	swait.ge [sflag:s12], $0x4000  }
0x8c: {  	[sflag:s12] =	ssyncset.done $0x0  }
0x8d: {  	s17 =	sadd.s32 s17, s2;
	s21 =	smul.u32 $0xC8, s21;
	[sflag:s12] =	ssyncadd.s32 $0xFFFFC000  }
0x8e: {  	[tilespmem:s1], [sflag:$0x5] =	stream.linear.gather [spmem:s17], $0x4000, $0x38;
	[tilespmem:$0x1B080] =	vst v63  }
0x8f: {  	s17 =	ssub.s32 s20, s21;
	_ =	swait.ge [sflag:s4], $0x4000  }
0x90: {  	[sflag:s4] =	ssyncset.done $0x0  }
0x91: {  	s20 =	sadd.s32 $0xFFFFFE00, s15;
	s17 =	sand.u32 $0xFFFF, s17;
	[sflag:s4] =	ssyncadd.s32 $0xFFFFC000  }
0x92: {  	[tilespmem:s1], [sflag:$0xA] =	stream.indirect.gather.add.f32 [hbm:s0], $0x80, s20, s22, $0xb8;
	[tilespmem:$0x1B080] =	vst v63  }
0x93: {  	s17 =	sshll.u32 s17, $0x7;
	_ =	swait.ge [sflag:s5], $0x4000  }
0x94: {  	[sflag:s5] =	ssyncset.done $0x0  }
0x95: {  	s21 =	sadd.s32 $0x380, s7;
	s20 =	sadd.s32 $0xFFFFE000, s14;
	[sflag:s5] =	ssyncadd.s32 $0xFFFFC000  }
0x96: {  	[hbm4b:s20+s3] =	stream.linear.scatter [tilespmem:s23], [sflag:$0xE], $0x4000, $0x38;
	[tilespmem:$0x1B080] =	vst v63  }
0x97: {  	s20 =	sand.u32 $0xFFF8, s21;
	_ =	swait.ge [sflag:s6], $0x4000  }
0x98: {  	s20 =	sshrl.u32 s20, $0x3;
	[sflag:s6] =	ssyncset.done $0x0  }
0x99: {  	s19 =	sadd.s32 s19, s2;
	s20 =	smul.u32 $0x147B, s20;
	[sflag:s6] =	ssyncadd.s32 $0xFFFFC000  }
0x9a: {  	[tilespmem:s24], [sflag:$0x1] =	stream.linear.gather [spmem:s19], $0x4000, $0x38;
	[tilespmem:$0x1B080] =	vst v63  }
0x9b: {  	s19 =	sshrl.u32 s20, $0x11;
	_ =	swait.ge [sflag:s26], $0x4000  }
0x9c: {  	[sflag:s26] =	ssyncset.done $0x0  }
0x9d: {  	s20 =	sadd.s32 $0xFFFFFE80, s15;
	s19 =	smul.u32 $0xC8, s19;
	[sflag:s26] =	ssyncadd.s32 $0xFFFFC000  }
0x9e: {  	[tilespmem:s24], [sflag:$0x6] =	stream.indirect.gather.add.f32 [hbm:s0], $0x80, s20, s22, $0xb8;
	[tilespmem:$0x1B080] =	vst v63  }
0x9f: {  	s19 =	ssub.s32 s21, s19;
	s20 =	sadd.s32 $0x400, s7;
	_ =	swait.ge [sflag:s8], $0x4000  }
0xa0: {  	s21 =	sadd.s32 $0xFFFFE800, s14;
	s19 =	sand.u32 $0xFFFF, s19;
	[sflag:s8] =	ssyncset.done $0x0  }
0xa1: {  	s17 =	sadd.s32 s17, s2;
	s23 =	sshll.u32 s19, $0x7;
	[sflag:s8] =	ssyncadd.s32 $0xFFFFC000  }
0xa2: {  	[hbm4b:s21+s3] =	stream.linear.scatter [tilespmem:s1], [sflag:$0xF], $0x4000, $0x38;
	[tilespmem:$0x1B080] =	vst v63  }
0xa3: {  	s19 =	sand.u32 $0xFFF8, s20;
	_ =	swait.ge [sflag:s9], $0x4000  }
0xa4: {  	s19 =	sshrl.u32 s19, $0x3;
	[sflag:s9] =	ssyncset.done $0x0  }
0xa5: {  	s19 =	smul.u32 $0x147B, s19;
	[sflag:s9] =	ssyncadd.s32 $0xFFFFC000  }
0xa6: {  	[tilespmem:s25], [sflag:$0x2] =	stream.linear.gather [spmem:s17], $0x4000, $0x38;
	[tilespmem:$0x1B080] =	vst v63  }
0xa7: {  	s17 =	sshrl.u32 s19, $0x11;
	_ =	swait.ge [sflag:s29], $0x4000  }
0xa8: {  	[sflag:s29] =	ssyncset.done $0x0  }
0xa9: {  	s19 =	sadd.s32 $0xFFFFFF00, s15;
	s17 =	smul.u32 $0xC8, s17;
	[sflag:s29] =	ssyncadd.s32 $0xFFFFC000  }
0xaa: {  	[tilespmem:s25], [sflag:$0x7] =	stream.indirect.gather.add.f32 [hbm:s0], $0x80, s19, s22, $0xb8;
	[tilespmem:$0x1B080] =	vst v63  }
0xab: {  	s21 =	simm.s32 $0xB080;
	s25 =	simm.s32 $0x6  }
0xac: {  	s17 =	ssub.s32 s20, s17;
	_ =	swait.ge [sflag:s25], $0x4000  }
0xad: {  	s20 =	sadd.s32 $0xFFFFF000, s14;
	s17 =	sand.u32 $0xFFFF, s17;
	[sflag:s25] =	ssyncset.done $0x0  }
.Ltmp0:
0xae: {  	s19 =	sshll.u32 s17, $0x7;
	[sflag:s25] =	ssyncadd.s32 $0xFFFFC000;
	(pc) =	sbr.rel @p1 .LBB2_2-.Ltmp0, $4  }
0xaf: {  	[hbm4b:s20+s3] =	stream.linear.scatter [tilespmem:s24], [sflag:$0xB], $0x4000, $0x38;
	[tilespmem:$0x1B080] =	vst v63  }
0xb0: {  	_ =	swait.ge [sflag:s10], $0x4000  }
0xb1: {  	[sflag:s10] =	ssyncset.done $0x0  }
0xb2: {  	s17 =	smov.u32 s13;
	s20 =	sadd.s32 s23, s2;
	[sflag:s10] =	ssyncadd.s32 $0xFFFFC000  }
0xb3: {  	s17 =	simm.s32 $0xF080;
	s23 =	simm.s32 $0x3  }
0xb4: {  	[tilespmem:s17], [sflag:$0x3] =	stream.linear.gather [spmem:s20], $0x4000, $0x38;
	[tilespmem:$0x1B080] =	vst v63  }
0xb5: {  	_ =	swait.ge [sflag:s23], $0x4000  }
0xb6: {  	[sflag:s23] =	ssyncset.done $0x0  }
0xb7: {  	s13 =	sadd.s32 $0xFFFFFF80, s15;
	[sflag:s23] =	ssyncadd.s32 $0xFFFFC000  }
0xb8: {  	[tilespmem:s17], [sflag:$0x8] =	stream.indirect.gather.add.f32 [hbm:s0], $0x80, s13, s22, $0xb8;
	[tilespmem:$0x1B080] =	vst v63  }
0xb9: {  	s13 =	simm.s32 $0x7  }
0xba: {  	_ =	swait.ge [sflag:s13], $0x4000  }
0xbb: {  	[sflag:s13] =	ssyncset.done $0x0  }
0xbc: {  	s20 =	sadd.s32 $0xFFFFF800, s14;
	[sflag:s13] =	ssyncadd.s32 $0xFFFFC000  }
0xbd: {  	[hbm4b:s20+s3] =	stream.linear.scatter [tilespmem:s21], [sflag:$0xC], $0x4000, $0x38;
	[tilespmem:$0x1B080] =	vst v63  }
0xbe: {  	s7 =	sadd.s32 $0x480, s7;
	_ =	swait.ge [sflag:s11], $0x4000  }
0xbf: {  	s15 =	sand.u32 $0xFFF8, s7;
	s23 =	simm.s32 $0x13080;
	[sflag:s11] =	ssyncset.done $0x0  }
0xc0: {  	s13 =	sshrl.u32 s15, $0x3;
	s21 =	sadd.s32 s19, s2;
	[sflag:s11] =	ssyncadd.s32 $0xFFFFC000  }
0xc1: {  	[tilespmem:s23], [sflag:$0x4] =	stream.linear.gather [spmem:s21], $0x4000, $0x38;
	[tilespmem:$0x1B080] =	vst v63  }
0xc2: {  	s13 =	smul.u32 $0x147B, s13;
	_ =	swait.ge [sflag:s31], $0x4000  }
0xc3: {  	[sflag:s31] =	ssyncset.done $0x0  }
0xc4: {  	s13 =	sshrl.u32 s13, $0x11;
	[sflag:s31] =	ssyncadd.s32 $0xFFFFC000  }
0xc5: {  	[tilespmem:s23], [sflag:$0x9] =	stream.indirect.gather.add.f32 [hbm:s0], $0x80, s18, s22, $0xb8;
	[tilespmem:$0x1B080] =	vst v63  }
0xc6: {  	s13 =	smul.u32 $0xC8, s13;
	_ =	swait.ge [sflag:s28], $0x4000  }
0xc7: {  	[sflag:s28] =	ssyncset.done $0x0  }
0xc8: {  	s7 =	ssub.s32 s7, s13;
	[sflag:s28] =	ssyncadd.s32 $0xFFFFC000  }
0xc9: {  	[hbm4b:s16+s3] =	stream.linear.scatter [tilespmem:s17], [sflag:$0xD], $0x4000, $0x38;
	[tilespmem:$0x1B080] =	vst v63  }
0xca: {  	s7 =	sand.u32 $0xFFFF, s7;
	_ =	swait.ge [sflag:s12], $0x4000  }
0xcb: {  	s7 =	sshll.u32 s7, $0x7;
	[sflag:s12] =	ssyncset.done $0x0  }
0xcc: {  	s7 =	sadd.s32 s7, s2;
	[sflag:s12] =	ssyncadd.s32 $0xFFFFC000  }
0xcd: {  	[tilespmem:s1], [sflag:$0x5] =	stream.linear.gather [spmem:s7], $0x4000, $0x38;
	[tilespmem:$0x1B080] =	vst v63  }
0xce: {  	_ =	swait.ge [sflag:s4], $0x4000  }
0xcf: {  	[sflag:s4] =	ssyncset.done $0x0  }
0xd0: {  	s18 =	simm.s32 $0x6380;
	[sflag:s4] =	ssyncadd.s32 $0xFFFFC000  }
0xd1: {  	[tilespmem:s1], [sflag:$0xA] =	stream.indirect.gather.add.f32 [hbm:s0], $0x80, s18, s22, $0xb8;
	[tilespmem:$0x1B080] =	vst v63  }
0xd2: {  	_ =	swait.ge [sflag:s5], $0x4000  }
0xd3: {  	[sflag:s5] =	ssyncset.done $0x0  }
0xd4: {  	s19 =	rddreg [dreg:$0xe];
	[sflag:s5] =	ssyncadd.s32 $0xFFFFC000  }
0xd5: {  	[hbm4b:s19+s3] =	stream.linear.scatter [tilespmem:s23], [sflag:$0xE], $0x4000, $0x38;
	[tilespmem:$0x1B080] =	vst v63  }
0xd6: {  	_ =	swait.ge [sflag:s6], $0x4000  }
0xd7: {  	[sflag:s6] =	ssyncset.done $0x0  }
0xd8: {  	[sflag:s6] =	ssyncadd.s32 $0xFFFFC000  }
0xd9: {  	_ =	swait.ge [sflag:s8], $0x4000  }
0xda: {  	[sflag:s8] =	ssyncset.done $0x0  }
0xdb: {  	s20 =	rddreg [dreg:$0xf];
	[sflag:s8] =	ssyncadd.s32 $0xFFFFC000  }
0xdc: {  	[hbm4b:s20+s3] =	stream.linear.scatter [tilespmem:s1], [sflag:$0xF], $0x4000, $0x38;
	[tilespmem:$0x1B080] =	vst v63  }
0xdd: {  	_ =	swait.ge [sflag:s9], $0x4000  }
0xde: {  	[sflag:s9] =	ssyncset.done $0x0  }
0xdf: {  	[sflag:s9] =	ssyncadd.s32 $0xFFFFC000  }
0xe0: {  	_ =	swait.ge [sflag:s10], $0x4000  }
0xe1: {  	[sflag:s10] =	ssyncset.done $0x0  }
0xe2: {  	[sflag:s10] =	ssyncadd.s32 $0xFFFFC000  }
0xe3: {  	_ =	swait.ge [sflag:s11], $0x4000  }
0xe4: {  	[sflag:s11] =	ssyncset.done $0x0  }
0xe5: {  	[sflag:s11] =	ssyncadd.s32 $0xFFFFC000  }
0xe6: {  	_ =	swait.ge [sflag:s12], $0x4000  }
0xe7: {  	s21 =	rddreg [dreg:$0x13]  }
0xe8: {  	s23 =	rddreg [dreg:$0x10];
	s13 =	sadd.s32 $0x1, s21  }
0xe9: {  	p1 =	sne.s32 s13, s23  }
.Ltmp1:
0xea: {  	_ = 	snop;
	(pc) =	sbr.rel @p1 .LBB2_1-.Ltmp1, $3  }
0xeb: {  	_ =	sdelay $0x1  }
0xec: {  	[sflag:s12] =	ssyncset.done $0x0  }
0xed: {  	s18 =	simm.s32 $0x1;
	s19 =	simm.s32 $0x2;
	[sflag:s12] =	ssyncadd.s32 $0xFFFFC000  }
0xee: {  	_ =	sfence.sel $0x180000  }
0xef: {  	[bflag:$0x0] =	sbarrier.arrive $0xFFFF  }
0xf0: {  	_ =	strace $0x90000047  }
0xf1: {  	[bflag:$0x2] =	sbarrier.arrive $0xFFFF  }
0xf2: {  	s0 =	rddreg [dreg:$0x4]  }
0xf3: {  	s0 =	sadd.s32 @!p0 $0x100000, s0  }
0xf4: {  	[sflag:s0] =	ssyncadd.tile.s32 @!p0 $0x1;
	_ =	shalt  }
.Lfunc_end2:
_tile_overlayer_lowered:
.L_overlay_start_2:
0xf5: {  	(tag) =	ssettag $0x2  }
0xf6: {  	s0 =	rddreg [dreg:$0x0];
	s2 =	stileid.u32  }
0xf7: {  	s1 =	rddreg [dreg:$0x1];
	p0 =	sne.s32 s2, $0x0  }
0xf8: {  	s3 =	rddreg [dreg:$0x2];
	[bflag:$0x3] =	sbarrier.arrive $0xFFFF;
	s2 =	simm.s32 @!p0 $0x1C10  }
0xf9: {  	[timem:s3], [sflag:s2] =	dma.local @!p0 [hbm:s0], s1  }
0xfa: {  	s0 =	simm.s32 @!p0 $0x10  }
0xfb: {  	_ =	swait.ge @!p0 [sflag:s0], s1  }
0xfc: {  	s1 =	ssub.s32 @!p0 $0x0, s1;
	[sflag:s0] =	ssyncset.done @!p0 $0x0  }
0xfd: {  	[sflag:s0] =	ssyncadd.s32 @!p0 s1  }
0xfe: {  	[bflag:$0x3] =	sbarrier.arrive $0xFFFF  }
0xff: {  	_ =	shalt  }

</sc_bundles>
